<compile_context>
chip_gen: v7x
topology: tpu7x:2x2x1
jax: 0.10.2.dev20260603
libtpu: 0.0.44.dev20260713+nightly
codegen_flags: <defaults>
</compile_context>

<pallas_src>
import functools

import jax
import jax.numpy as jnp
from jax import lax
from jax.experimental import pallas as pl
from jax.experimental.pallas import tpu as pltpu
from jax.experimental.pallas import tpu_sc as plsc

_NC = 2
_NS = 16
_LANES = 16
_NW = _NC * _NS
_WCOLS = 128
_CHUNK = 8


def kernel(token_ids, idf_weights):
    B, L = token_ids.shape
    V = idf_weights.shape[0]

    n_chunks = L // _CHUNK
    col_groups = _WCOLS // _LANES

    mesh = plsc.VectorSubcoreMesh(core_axis_name="c", subcore_axis_name="s")

    @functools.partial(
        pl.kernel,
        out_type=jax.ShapeDtypeStruct((V, B), jnp.float32),
        mesh=mesh,
        compiler_params=pltpu.CompilerParams(needs_layout_passes=False),
        scratch_types=[
            pltpu.VMEM((_CHUNK, _WCOLS), jnp.int32),
            pltpu.VMEM((_CHUNK, _WCOLS), jnp.int32),
            pltpu.VMEM((V,), jnp.float32),
            pltpu.VMEM((V, _WCOLS), jnp.float32),
            pltpu.SemaphoreType.DMA,
            pltpu.SemaphoreType.DMA,
        ],
    )
    def _tfidf(tok_hbm, idf_hbm, out_hbm, tokc0, tokc1, idf_v, acc_v,
               sc0, sc1):
        cid = lax.axis_index("c")
        sid = lax.axis_index("s")
        wid = sid * _NC + cid
        wbase = pl.multiple_of(wid * _WCOLS, _WCOLS)
        lanes = lax.iota(jnp.int32, _LANES)
        zeros = jnp.zeros((_LANES,), jnp.float32)
        tokc = (tokc0, tokc1)
        scs = (sc0, sc1)

        chunk_dma = [None, None]
        chunk_dma[0] = pltpu.async_copy(
            tok_hbm.at[pl.ds(0, _CHUNK), pl.ds(wbase, _WCOLS)], tokc[0], scs[0])
        pltpu.sync_copy(idf_hbm, idf_v)

        @plsc.parallel_loop(0, V, 1, unroll=4)
        def _zero(v):
            for c in range(col_groups):
                acc_v[v, pl.ds(c * _LANES, _LANES)] = zeros

        chunk_dma[1] = pltpu.async_copy(
            tok_hbm.at[pl.ds(_CHUNK, _CHUNK), pl.ds(wbase, _WCOLS)],
            tokc[1], scs[1])

        def _process(buf):
            @plsc.parallel_loop(0, _CHUNK, 1, unroll=4)
            def _row(j):
                for c in range(col_groups):
                    colv = lanes + (c * _LANES)
                    tok = buf[j, pl.ds(c * _LANES, _LANES)]
                    val = plsc.load_gather(idf_v, [tok])
                    plsc.addupdate_scatter(acc_v, [tok, colv], val)

        def _pair(g, carry):
            for b in range(2):
                k = g * 2 + b
                pltpu.make_async_copy(
                    tok_hbm.at[pl.ds(pl.multiple_of(k * _CHUNK, _CHUNK),
                                     _CHUNK), pl.ds(wbase, _WCOLS)],
                    tokc[b], scs[b]).wait()
                _process(tokc[b])

                @pl.when(k + 2 < n_chunks)
                def _prefetch():
                    pltpu.async_copy(
                        tok_hbm.at[pl.ds(pl.multiple_of((k + 2) * _CHUNK,
                                                        _CHUNK), _CHUNK),
                                   pl.ds(wbase, _WCOLS)],
                        tokc[b], scs[b])
            return carry

        lax.fori_loop(0, (n_chunks - 1) // 2, _pair, 0, unroll=False)

        last = n_chunks - 1
        pltpu.make_async_copy(
            tok_hbm.at[pl.ds(last * _CHUNK, _CHUNK), pl.ds(wbase, _WCOLS)],
            tokc[0], scs[0]).wait()
        _process(tokc[0])

        pltpu.sync_copy(acc_v, out_hbm.at[:, pl.ds(wbase, _WCOLS)])

    return _tfidf(token_ids.T, idf_weights).T

# --- scband reference (transcript-rebuilt; emitter-appended) ---
"""Pipeline reference for scband-text-vectorization-17282948399388 (READ-ONLY COPY).

The authoritative reference and input builder live on the scoring server;
editing this copy changes nothing except your own understanding.
"""

import jax, jax.numpy as jnp
import numpy as np

B = 4096
L = 200
V = 1000

def setup_inputs(seed: int = 0) -> dict:
    key = jax.random.key(seed)
    k1, k2 = jax.random.split(key)
    # Pre-tokenized integer token ids (string standardize/split/vocab-hash steps
    # happen in the tf.data string pipeline; the numeric core is the lookup +
    # per-example bincount scatter that follows).
    token_ids = jax.random.randint(k1, (B, L), 0, V, dtype=jnp.int32)
    # Learned/adapted IDF weights, one per vocabulary slot (tf_idf output mode).
    idf_weights = jax.random.uniform(k2, (V,), minval=0.1, maxval=2.0, dtype=jnp.float32)
    return {"token_ids": token_ids, "idf_weights": idf_weights}

def reference(token_ids, idf_weights):
    # TextVectorization with output_mode='tf_idf', pad_to_max_tokens=True:
    # 1) per-example term counts via scatter-add into a [B, max_tokens] grid
    # 2) multiply each vocab slot by its IDF weight
    b, l = token_ids.shape
    v = idf_weights.shape[0]
    batch_idx = jnp.repeat(jnp.arange(b, dtype=jnp.int32), l)
    flat_tok = token_ids.reshape(-1)
    counts = jnp.zeros((b, v), dtype=jnp.float32).at[batch_idx, flat_tok].add(1.0)
    return counts * idf_weights[None, :]

if __name__ == "__main__":
    import jax
    _d = setup_inputs()
    print(jax.jit(kernel)(*tuple(_d.values())))

</pallas_src>

<mosaic_0001>
#map = affine_map<(d0, d1) -> (0, 0)>
#map1 = affine_map<(d0, d1) -> (0)>
module attributes {stable_mosaic.version = 14 : i64} {
  func.func @_tfidf(%arg0: i32, %arg1: i32, %arg2: memref<200x4096xi32, #tpu.memory_space<hbm>>, %arg3: memref<1000xf32, #tpu.memory_space<hbm>>, %arg4: memref<1000x4096xf32, #tpu.memory_space<hbm>>, %arg5: memref<8x128xi32, #tpu.memory_space<vmem>>, %arg6: memref<8x128xi32, #tpu.memory_space<vmem>>, %arg7: memref<1000xf32, #tpu.memory_space<vmem>>, %arg8: memref<1000x128xf32, #tpu.memory_space<vmem>>, %arg9: memref<!tpu.dma_semaphore, #tpu.memory_space<semaphore_mem>>, %arg10: memref<!tpu.dma_semaphore, #tpu.memory_space<semaphore_mem>>) attributes {dimension_semantics = [#tpu.dimension_semantics<core_parallel>, #tpu.dimension_semantics<subcore_parallel>], iteration_bounds = array<i64: 2, 16>, scalar_prefetch = 0 : i64, scratch_operands = 6 : i64, tpu.core_type = #tpu.core_type<sc_vector_subcore>, window_params = [{transform_indices = #map}, {transform_indices = #map1}, {transform_indices = #map}]} {
    %mul3A = arith.constant 2 : i32
    %mul3A_0 = arith.muli %arg1, %mul3A : i32
    %add3A = arith.addi %mul3A_0, %arg0 : i32
    %mul3A_1 = arith.constant 128 : i32
    %mul3A_2 = arith.muli %add3A, %mul3A_1 : i32
    %multiple_of3A = tpu.assume_multiple %mul3A_2, 128 : i32
    %iota3A = tpu.iota {dimensions = array<i32: 0>} : vector<16xi32>
    %broadcast_in_dim3A = arith.constant 0.000000e+00 : f32
    %broadcast_in_dim3A_3 = vector.broadcast %broadcast_in_dim3A : f32 to vector<16xf32>
    %dma_start3A = arith.constant 0 : i32
    %dma_start3A_4 = tpu.memref_slice %arg2[%dma_start3A, %multiple_of3A] : memref<200x4096xi32, #tpu.memory_space<hbm>> -> memref<8x128xi32, #tpu.memory_space<hbm>>
    %dma_start3A_5 = arith.constant 0 : i32
    %dma_start3A_6 = tpu.memref_slice %arg2[%dma_start3A_5, %multiple_of3A] : memref<200x4096xi32, #tpu.memory_space<hbm>> -> memref<8x128xi32, #tpu.memory_space<hbm>>
    tpu.enqueue_dma source(%dma_start3A_6 : memref<8x128xi32, #tpu.memory_space<hbm>>) target(%arg5 : memref<8x128xi32, #tpu.memory_space<vmem>>) target_semaphore(%arg9 : memref<!tpu.dma_semaphore, #tpu.memory_space<semaphore_mem>>)
    "tpu.region"() ({
      %run_scoped3A = tpu.sem_alloc : memref<!tpu.dma_semaphore, #tpu.memory_space<semaphore_mem>>
      tpu.enqueue_dma source(%arg3 : memref<1000xf32, #tpu.memory_space<hbm>>) target(%arg7 : memref<1000xf32, #tpu.memory_space<vmem>>) target_semaphore(%run_scoped3A : memref<!tpu.dma_semaphore, #tpu.memory_space<semaphore_mem>>)
      tpu.wait_dma2 semaphore(%run_scoped3A : memref<!tpu.dma_semaphore, #tpu.memory_space<semaphore_mem>>) src(%arg3 : memref<1000xf32, #tpu.memory_space<hbm>>) dst(%arg7 : memref<1000xf32, #tpu.memory_space<vmem>>)
      tpu.yield
    }) : () -> ()
    %parallel_loop3A = arith.constant 0 : i32
    %parallel_loop3A_7 = arith.constant 1000 : i32
    %parallel_loop3A_8 = arith.constant 1 : i32
    scf.for %parallel_loop3A_24 = %parallel_loop3A to %parallel_loop3A_7 step %parallel_loop3A_8  : i32 {
      %parallel_loop3A_25 = arith.index_cast %parallel_loop3A_24 : i32 to index
      %parallel_loop3A_26 = arith.constant 0 : index
      %parallel_loop3A_27 = tpu.vector_load %arg8[%parallel_loop3A_25, %parallel_loop3A_26] {strides = array<i32>} : memref<1000x128xf32, #tpu.memory_space<vmem>>, vector<16xf32>,
      tpu.vector_store %arg8[%parallel_loop3A_25, %parallel_loop3A_26], %broadcast_in_dim3A_3 {strides = array<i32>} : memref<1000x128xf32, #tpu.memory_space<vmem>>, vector<16xf32>,
      %parallel_loop3A_28 = arith.index_cast %parallel_loop3A_24 : i32 to index
      %parallel_loop3A_29 = arith.constant 16 : index
      %parallel_loop3A_30 = tpu.vector_load %arg8[%parallel_loop3A_28, %parallel_loop3A_29] {strides = array<i32>} : memref<1000x128xf32, #tpu.memory_space<vmem>>, vector<16xf32>,
      tpu.vector_store %arg8[%parallel_loop3A_28, %parallel_loop3A_29], %broadcast_in_dim3A_3 {strides = array<i32>} : memref<1000x128xf32, #tpu.memory_space<vmem>>, vector<16xf32>,
      %parallel_loop3A_31 = arith.index_cast %parallel_loop3A_24 : i32 to index
      %parallel_loop3A_32 = arith.constant 32 : index
      %parallel_loop3A_33 = tpu.vector_load %arg8[%parallel_loop3A_31, %parallel_loop3A_32] {strides = array<i32>} : memref<1000x128xf32, #tpu.memory_space<vmem>>, vector<16xf32>,
      tpu.vector_store %arg8[%parallel_loop3A_31, %parallel_loop3A_32], %broadcast_in_dim3A_3 {strides = array<i32>} : memref<1000x128xf32, #tpu.memory_space<vmem>>, vector<16xf32>,
      %parallel_loop3A_34 = arith.index_cast %parallel_loop3A_24 : i32 to index
      %parallel_loop3A_35 = arith.constant 48 : index
      %parallel_loop3A_36 = tpu.vector_load %arg8[%parallel_loop3A_34, %parallel_loop3A_35] {strides = array<i32>} : memref<1000x128xf32, #tpu.memory_space<vmem>>, vector<16xf32>,
      tpu.vector_store %arg8[%parallel_loop3A_34, %parallel_loop3A_35], %broadcast_in_dim3A_3 {strides = array<i32>} : memref<1000x128xf32, #tpu.memory_space<vmem>>, vector<16xf32>,
      %parallel_loop3A_37 = arith.index_cast %parallel_loop3A_24 : i32 to index
      %parallel_loop3A_38 = arith.constant 64 : index
      %parallel_loop3A_39 = tpu.vector_load %arg8[%parallel_loop3A_37, %parallel_loop3A_38] {strides = array<i32>} : memref<1000x128xf32, #tpu.memory_space<vmem>>, vector<16xf32>,
      tpu.vector_store %arg8[%parallel_loop3A_37, %parallel_loop3A_38], %broadcast_in_dim3A_3 {strides = array<i32>} : memref<1000x128xf32, #tpu.memory_space<vmem>>, vector<16xf32>,
      %parallel_loop3A_40 = arith.index_cast %parallel_loop3A_24 : i32 to index
      %parallel_loop3A_41 = arith.constant 80 : index
      %parallel_loop3A_42 = tpu.vector_load %arg8[%parallel_loop3A_40, %parallel_loop3A_41] {strides = array<i32>} : memref<1000x128xf32, #tpu.memory_space<vmem>>, vector<16xf32>,
      tpu.vector_store %arg8[%parallel_loop3A_40, %parallel_loop3A_41], %broadcast_in_dim3A_3 {strides = array<i32>} : memref<1000x128xf32, #tpu.memory_space<vmem>>, vector<16xf32>,
      %parallel_loop3A_43 = arith.index_cast %parallel_loop3A_24 : i32 to index
      %parallel_loop3A_44 = arith.constant 96 : index
      %parallel_loop3A_45 = tpu.vector_load %arg8[%parallel_loop3A_43, %parallel_loop3A_44] {strides = array<i32>} : memref<1000x128xf32, #tpu.memory_space<vmem>>, vector<16xf32>,
      tpu.vector_store %arg8[%parallel_loop3A_43, %parallel_loop3A_44], %broadcast_in_dim3A_3 {strides = array<i32>} : memref<1000x128xf32, #tpu.memory_space<vmem>>, vector<16xf32>,
      %parallel_loop3A_46 = arith.index_cast %parallel_loop3A_24 : i32 to index
      %parallel_loop3A_47 = arith.constant 112 : index
      %parallel_loop3A_48 = tpu.vector_load %arg8[%parallel_loop3A_46, %parallel_loop3A_47] {strides = array<i32>} : memref<1000x128xf32, #tpu.memory_space<vmem>>, vector<16xf32>,
      tpu.vector_store %arg8[%parallel_loop3A_46, %parallel_loop3A_47], %broadcast_in_dim3A_3 {strides = array<i32>} : memref<1000x128xf32, #tpu.memory_space<vmem>>, vector<16xf32>,
    } {sc.loop_unroll_factor = 4 : i64, sc.parallel_access}
    %dma_start3A_9 = arith.constant 8 : i32
    %dma_start3A_10 = tpu.memref_slice %arg2[%dma_start3A_9, %multiple_of3A] : memref<200x4096xi32, #tpu.memory_space<hbm>> -> memref<8x128xi32, #tpu.memory_space<hbm>>
    %dma_start3A_11 = arith.constant 8 : i32
    %dma_start3A_12 = tpu.memref_slice %arg2[%dma_start3A_11, %multiple_of3A] : memref<200x4096xi32, #tpu.memory_space<hbm>> -> memref<8x128xi32, #tpu.memory_space<hbm>>
    tpu.enqueue_dma source(%dma_start3A_12 : memref<8x128xi32, #tpu.memory_space<hbm>>) target(%arg6 : memref<8x128xi32, #tpu.memory_space<vmem>>) target_semaphore(%arg10 : memref<!tpu.dma_semaphore, #tpu.memory_space<semaphore_mem>>)
    %scan3A = arith.constant 0 : i32
    %scan3A_13 = arith.constant 0 : i32
    %scan3A_14 = arith.constant 12 : i32
    %scan3A_15 = arith.addi %scan3A_13, %scan3A_14 : i32
    %scan3A_16 = arith.constant 1 : i32
    scf.for %scan3A_24 = %scan3A_13 to %scan3A_15 step %scan3A_16  : i32 {
      %mul3A_25 = arith.constant 2 : i32
      %mul3A_26 = arith.muli %scan3A_24, %mul3A_25 : i32
      %add3A_27 = arith.constant 0 : i32
      %add3A_28 = arith.addi %mul3A_26, %add3A_27 : i32
      %mul3A_29 = arith.constant 8 : i32
      %mul3A_30 = arith.muli %add3A_28, %mul3A_29 : i32
      %multiple_of3A_31 = tpu.assume_multiple %mul3A_30, 8 : i32
      %dma_wait3A_32 = tpu.memref_slice %arg2[%multiple_of3A_31, %multiple_of3A] : memref<200x4096xi32, #tpu.memory_space<hbm>> -> memref<8x128xi32, #tpu.memory_space<hbm>>
      %dma_wait3A_33 = tpu.memref_slice %arg2[%multiple_of3A_31, %multiple_of3A] : memref<200x4096xi32, #tpu.memory_space<hbm>> -> memref<8x128xi32, #tpu.memory_space<hbm>>
      tpu.wait_dma2 semaphore(%arg9 : memref<!tpu.dma_semaphore, #tpu.memory_space<semaphore_mem>>) src(%dma_wait3A_33 : memref<8x128xi32, #tpu.memory_space<hbm>>) dst(%arg5 : memref<8x128xi32, #tpu.memory_space<vmem>>)
      %parallel_loop3A_34 = arith.constant 0 : i32
      %parallel_loop3A_35 = arith.constant 8 : i32
      %parallel_loop3A_36 = arith.constant 1 : i32
      scf.for %parallel_loop3A_60 = %parallel_loop3A_34 to %parallel_loop3A_35 step %parallel_loop3A_36  : i32 {
        %parallel_loop3A_61 = arith.constant 0 : i32
        %parallel_loop3A_62 = vector.broadcast %parallel_loop3A_61 : i32 to vector<16xi32>
        %parallel_loop3A_63 = arith.addi %iota3A, %parallel_loop3A_62 : vector<16xi32>
        %parallel_loop3A_64 = arith.index_cast %parallel_loop3A_60 : i32 to index
        %parallel_loop3A_65 = arith.constant 0 : index
        %parallel_loop3A_66 = tpu.vector_load %arg5[%parallel_loop3A_64, %parallel_loop3A_65] {strides = array<i32>} : memref<8x128xi32, #tpu.memory_space<vmem>>, vector<16xi32>,
        %parallel_loop3A_67 = tpu.vector_load_idx %arg7[%parallel_loop3A_66] : memref<1000xf32, #tpu.memory_space<vmem>>[vector<16xi32>], vector<16xf32>,
        tpu.vector_store_idx %arg8[%parallel_loop3A_66, %parallel_loop3A_63], %parallel_loop3A_67 {add = true} : memref<1000x128xf32, #tpu.memory_space<vmem>>[vector<16xi32>, vector<16xi32>], vector<16xf32>,
        %parallel_loop3A_68 = arith.constant 16 : i32
        %parallel_loop3A_69 = vector.broadcast %parallel_loop3A_68 : i32 to vector<16xi32>
        %parallel_loop3A_70 = arith.addi %iota3A, %parallel_loop3A_69 : vector<16xi32>
        %parallel_loop3A_71 = arith.index_cast %parallel_loop3A_60 : i32 to index
        %parallel_loop3A_72 = arith.constant 16 : index
        %parallel_loop3A_73 = tpu.vector_load %arg5[%parallel_loop3A_71, %parallel_loop3A_72] {strides = array<i32>} : memref<8x128xi32, #tpu.memory_space<vmem>>, vector<16xi32>,
        %parallel_loop3A_74 = tpu.vector_load_idx %arg7[%parallel_loop3A_73] : memref<1000xf32, #tpu.memory_space<vmem>>[vector<16xi32>], vector<16xf32>,
        tpu.vector_store_idx %arg8[%parallel_loop3A_73, %parallel_loop3A_70], %parallel_loop3A_74 {add = true} : memref<1000x128xf32, #tpu.memory_space<vmem>>[vector<16xi32>, vector<16xi32>], vector<16xf32>,
        %parallel_loop3A_75 = arith.constant 32 : i32
        %parallel_loop3A_76 = vector.broadcast %parallel_loop3A_75 : i32 to vector<16xi32>
        %parallel_loop3A_77 = arith.addi %iota3A, %parallel_loop3A_76 : vector<16xi32>
        %parallel_loop3A_78 = arith.index_cast %parallel_loop3A_60 : i32 to index
        %parallel_loop3A_79 = arith.constant 32 : index
        %parallel_loop3A_80 = tpu.vector_load %arg5[%parallel_loop3A_78, %parallel_loop3A_79] {strides = array<i32>} : memref<8x128xi32, #tpu.memory_space<vmem>>, vector<16xi32>,
        %parallel_loop3A_81 = tpu.vector_load_idx %arg7[%parallel_loop3A_80] : memref<1000xf32, #tpu.memory_space<vmem>>[vector<16xi32>], vector<16xf32>,
        tpu.vector_store_idx %arg8[%parallel_loop3A_80, %parallel_loop3A_77], %parallel_loop3A_81 {add = true} : memref<1000x128xf32, #tpu.memory_space<vmem>>[vector<16xi32>, vector<16xi32>], vector<16xf32>,
        %parallel_loop3A_82 = arith.constant 48 : i32
        %parallel_loop3A_83 = vector.broadcast %parallel_loop3A_82 : i32 to vector<16xi32>
        %parallel_loop3A_84 = arith.addi %iota3A, %parallel_loop3A_83 : vector<16xi32>
        %parallel_loop3A_85 = arith.index_cast %parallel_loop3A_60 : i32 to index
        %parallel_loop3A_86 = arith.constant 48 : index
        %parallel_loop3A_87 = tpu.vector_load %arg5[%parallel_loop3A_85, %parallel_loop3A_86] {strides = array<i32>} : memref<8x128xi32, #tpu.memory_space<vmem>>, vector<16xi32>,
        %parallel_loop3A_88 = tpu.vector_load_idx %arg7[%parallel_loop3A_87] : memref<1000xf32, #tpu.memory_space<vmem>>[vector<16xi32>], vector<16xf32>,
        tpu.vector_store_idx %arg8[%parallel_loop3A_87, %parallel_loop3A_84], %parallel_loop3A_88 {add = true} : memref<1000x128xf32, #tpu.memory_space<vmem>>[vector<16xi32>, vector<16xi32>], vector<16xf32>,
        %parallel_loop3A_89 = arith.constant 64 : i32
        %parallel_loop3A_90 = vector.broadcast %parallel_loop3A_89 : i32 to vector<16xi32>
        %parallel_loop3A_91 = arith.addi %iota3A, %parallel_loop3A_90 : vector<16xi32>
        %parallel_loop3A_92 = arith.index_cast %parallel_loop3A_60 : i32 to index
        %parallel_loop3A_93 = arith.constant 64 : index
        %parallel_loop3A_94 = tpu.vector_load %arg5[%parallel_loop3A_92, %parallel_loop3A_93] {strides = array<i32>} : memref<8x128xi32, #tpu.memory_space<vmem>>, vector<16xi32>,
        %parallel_loop3A_95 = tpu.vector_load_idx %arg7[%parallel_loop3A_94] : memref<1000xf32, #tpu.memory_space<vmem>>[vector<16xi32>], vector<16xf32>,
        tpu.vector_store_idx %arg8[%parallel_loop3A_94, %parallel_loop3A_91], %parallel_loop3A_95 {add = true} : memref<1000x128xf32, #tpu.memory_space<vmem>>[vector<16xi32>, vector<16xi32>], vector<16xf32>,
        %parallel_loop3A_96 = arith.constant 80 : i32
        %parallel_loop3A_97 = vector.broadcast %parallel_loop3A_96 : i32 to vector<16xi32>
        %parallel_loop3A_98 = arith.addi %iota3A, %parallel_loop3A_97 : vector<16xi32>
        %parallel_loop3A_99 = arith.index_cast %parallel_loop3A_60 : i32 to index
        %parallel_loop3A_100 = arith.constant 80 : index
        %parallel_loop3A_101 = tpu.vector_load %arg5[%parallel_loop3A_99, %parallel_loop3A_100] {strides = array<i32>} : memref<8x128xi32, #tpu.memory_space<vmem>>, vector<16xi32>,
        %parallel_loop3A_102 = tpu.vector_load_idx %arg7[%parallel_loop3A_101] : memref<1000xf32, #tpu.memory_space<vmem>>[vector<16xi32>], vector<16xf32>,
        tpu.vector_store_idx %arg8[%parallel_loop3A_101, %parallel_loop3A_98], %parallel_loop3A_102 {add = true} : memref<1000x128xf32, #tpu.memory_space<vmem>>[vector<16xi32>, vector<16xi32>], vector<16xf32>,
        %parallel_loop3A_103 = arith.constant 96 : i32
        %parallel_loop3A_104 = vector.broadcast %parallel_loop3A_103 : i32 to vector<16xi32>
        %parallel_loop3A_105 = arith.addi %iota3A, %parallel_loop3A_104 : vector<16xi32>
        %parallel_loop3A_106 = arith.index_cast %parallel_loop3A_60 : i32 to index
        %parallel_loop3A_107 = arith.constant 96 : index
        %parallel_loop3A_108 = tpu.vector_load %arg5[%parallel_loop3A_106, %parallel_loop3A_107] {strides = array<i32>} : memref<8x128xi32, #tpu.memory_space<vmem>>, vector<16xi32>,
        %parallel_loop3A_109 = tpu.vector_load_idx %arg7[%parallel_loop3A_108] : memref<1000xf32, #tpu.memory_space<vmem>>[vector<16xi32>], vector<16xf32>,
        tpu.vector_store_idx %arg8[%parallel_loop3A_108, %parallel_loop3A_105], %parallel_loop3A_109 {add = true} : memref<1000x128xf32, #tpu.memory_space<vmem>>[vector<16xi32>, vector<16xi32>], vector<16xf32>,
        %parallel_loop3A_110 = arith.constant 112 : i32
        %parallel_loop3A_111 = vector.broadcast %parallel_loop3A_110 : i32 to vector<16xi32>
        %parallel_loop3A_112 = arith.addi %iota3A, %parallel_loop3A_111 : vector<16xi32>
        %parallel_loop3A_113 = arith.index_cast %parallel_loop3A_60 : i32 to index
        %parallel_loop3A_114 = arith.constant 112 : index
        %parallel_loop3A_115 = tpu.vector_load %arg5[%parallel_loop3A_113, %parallel_loop3A_114] {strides = array<i32>} : memref<8x128xi32, #tpu.memory_space<vmem>>, vector<16xi32>,
        %parallel_loop3A_116 = tpu.vector_load_idx %arg7[%parallel_loop3A_115] : memref<1000xf32, #tpu.memory_space<vmem>>[vector<16xi32>], vector<16xf32>,
        tpu.vector_store_idx %arg8[%parallel_loop3A_115, %parallel_loop3A_112], %parallel_loop3A_116 {add = true} : memref<1000x128xf32, #tpu.memory_space<vmem>>[vector<16xi32>, vector<16xi32>], vector<16xf32>,
      } {sc.loop_unroll_factor = 4 : i64, sc.parallel_access}
      %add3A_37 = arith.constant 2 : i32
      %add3A_38 = arith.addi %add3A_28, %add3A_37 : i32
      %lt3A = arith.constant 25 : i32
      %lt3A_39 = arith.cmpi slt, %add3A_38, %lt3A : i32
      %convert_element_type3A = arith.extui %lt3A_39 : i1 to i32
      %cond3A = arith.constant 0 : i32
      %cond3A_40 = arith.cmpi ne, %convert_element_type3A, %cond3A : i32
      scf.if %cond3A_40 {
        %add3A_60 = arith.constant 2 : i32
        %add3A_61 = arith.addi %add3A_28, %add3A_60 : i32
        %mul3A_62 = arith.constant 8 : i32
        %mul3A_63 = arith.muli %add3A_61, %mul3A_62 : i32
        %multiple_of3A_64 = tpu.assume_multiple %mul3A_63, 8 : i32
        %dma_start3A_65 = tpu.memref_slice %arg2[%multiple_of3A_64, %multiple_of3A] : memref<200x4096xi32, #tpu.memory_space<hbm>> -> memref<8x128xi32, #tpu.memory_space<hbm>>
        %dma_start3A_66 = tpu.memref_slice %arg2[%multiple_of3A_64, %multiple_of3A] : memref<200x4096xi32, #tpu.memory_space<hbm>> -> memref<8x128xi32, #tpu.memory_space<hbm>>
        tpu.enqueue_dma source(%dma_start3A_66 : memref<8x128xi32, #tpu.memory_space<hbm>>) target(%arg5 : memref<8x128xi32, #tpu.memory_space<vmem>>) target_semaphore(%arg9 : memref<!tpu.dma_semaphore, #tpu.memory_space<semaphore_mem>>)
      } else {
      }
      %mul3A_41 = arith.constant 2 : i32
      %mul3A_42 = arith.muli %scan3A_24, %mul3A_41 : i32
      %add3A_43 = arith.constant 1 : i32
      %add3A_44 = arith.addi %mul3A_42, %add3A_43 : i32
      %mul3A_45 = arith.constant 8 : i32
      %mul3A_46 = arith.muli %add3A_44, %mul3A_45 : i32
      %multiple_of3A_47 = tpu.assume_multiple %mul3A_46, 8 : i32
      %dma_wait3A_48 = tpu.memref_slice %arg2[%multiple_of3A_47, %multiple_of3A] : memref<200x4096xi32, #tpu.memory_space<hbm>> -> memref<8x128xi32, #tpu.memory_space<hbm>>
      %dma_wait3A_49 = tpu.memref_slice %arg2[%multiple_of3A_47, %multiple_of3A] : memref<200x4096xi32, #tpu.memory_space<hbm>> -> memref<8x128xi32, #tpu.memory_space<hbm>>
      tpu.wait_dma2 semaphore(%arg10 : memref<!tpu.dma_semaphore, #tpu.memory_space<semaphore_mem>>) src(%dma_wait3A_49 : memref<8x128xi32, #tpu.memory_space<hbm>>) dst(%arg6 : memref<8x128xi32, #tpu.memory_space<vmem>>)
      %parallel_loop3A_50 = arith.constant 0 : i32
      %parallel_loop3A_51 = arith.constant 8 : i32
      %parallel_loop3A_52 = arith.constant 1 : i32
      scf.for %parallel_loop3A_60 = %parallel_loop3A_50 to %parallel_loop3A_51 step %parallel_loop3A_52  : i32 {
        %parallel_loop3A_61 = arith.constant 0 : i32
        %parallel_loop3A_62 = vector.broadcast %parallel_loop3A_61 : i32 to vector<16xi32>
        %parallel_loop3A_63 = arith.addi %iota3A, %parallel_loop3A_62 : vector<16xi32>
        %parallel_loop3A_64 = arith.index_cast %parallel_loop3A_60 : i32 to index
        %parallel_loop3A_65 = arith.constant 0 : index
        %parallel_loop3A_66 = tpu.vector_load %arg6[%parallel_loop3A_64, %parallel_loop3A_65] {strides = array<i32>} : memref<8x128xi32, #tpu.memory_space<vmem>>, vector<16xi32>,
        %parallel_loop3A_67 = tpu.vector_load_idx %arg7[%parallel_loop3A_66] : memref<1000xf32, #tpu.memory_space<vmem>>[vector<16xi32>], vector<16xf32>,
        tpu.vector_store_idx %arg8[%parallel_loop3A_66, %parallel_loop3A_63], %parallel_loop3A_67 {add = true} : memref<1000x128xf32, #tpu.memory_space<vmem>>[vector<16xi32>, vector<16xi32>], vector<16xf32>,
        %parallel_loop3A_68 = arith.constant 16 : i32
        %parallel_loop3A_69 = vector.broadcast %parallel_loop3A_68 : i32 to vector<16xi32>
        %parallel_loop3A_70 = arith.addi %iota3A, %parallel_loop3A_69 : vector<16xi32>
        %parallel_loop3A_71 = arith.index_cast %parallel_loop3A_60 : i32 to index
        %parallel_loop3A_72 = arith.constant 16 : index
        %parallel_loop3A_73 = tpu.vector_load %arg6[%parallel_loop3A_71, %parallel_loop3A_72] {strides = array<i32>} : memref<8x128xi32, #tpu.memory_space<vmem>>, vector<16xi32>,
        %parallel_loop3A_74 = tpu.vector_load_idx %arg7[%parallel_loop3A_73] : memref<1000xf32, #tpu.memory_space<vmem>>[vector<16xi32>], vector<16xf32>,
        tpu.vector_store_idx %arg8[%parallel_loop3A_73, %parallel_loop3A_70], %parallel_loop3A_74 {add = true} : memref<1000x128xf32, #tpu.memory_space<vmem>>[vector<16xi32>, vector<16xi32>], vector<16xf32>,
        %parallel_loop3A_75 = arith.constant 32 : i32
        %parallel_loop3A_76 = vector.broadcast %parallel_loop3A_75 : i32 to vector<16xi32>
        %parallel_loop3A_77 = arith.addi %iota3A, %parallel_loop3A_76 : vector<16xi32>
        %parallel_loop3A_78 = arith.index_cast %parallel_loop3A_60 : i32 to index
        %parallel_loop3A_79 = arith.constant 32 : index
        %parallel_loop3A_80 = tpu.vector_load %arg6[%parallel_loop3A_78, %parallel_loop3A_79] {strides = array<i32>} : memref<8x128xi32, #tpu.memory_space<vmem>>, vector<16xi32>,
        %parallel_loop3A_81 = tpu.vector_load_idx %arg7[%parallel_loop3A_80] : memref<1000xf32, #tpu.memory_space<vmem>>[vector<16xi32>], vector<16xf32>,
        tpu.vector_store_idx %arg8[%parallel_loop3A_80, %parallel_loop3A_77], %parallel_loop3A_81 {add = true} : memref<1000x128xf32, #tpu.memory_space<vmem>>[vector<16xi32>, vector<16xi32>], vector<16xf32>,
        %parallel_loop3A_82 = arith.constant 48 : i32
        %parallel_loop3A_83 = vector.broadcast %parallel_loop3A_82 : i32 to vector<16xi32>
        %parallel_loop3A_84 = arith.addi %iota3A, %parallel_loop3A_83 : vector<16xi32>
        %parallel_loop3A_85 = arith.index_cast %parallel_loop3A_60 : i32 to index
        %parallel_loop3A_86 = arith.constant 48 : index
        %parallel_loop3A_87 = tpu.vector_load %arg6[%parallel_loop3A_85, %parallel_loop3A_86] {strides = array<i32>} : memref<8x128xi32, #tpu.memory_space<vmem>>, vector<16xi32>,
        %parallel_loop3A_88 = tpu.vector_load_idx %arg7[%parallel_loop3A_87] : memref<1000xf32, #tpu.memory_space<vmem>>[vector<16xi32>], vector<16xf32>,
        tpu.vector_store_idx %arg8[%parallel_loop3A_87, %parallel_loop3A_84], %parallel_loop3A_88 {add = true} : memref<1000x128xf32, #tpu.memory_space<vmem>>[vector<16xi32>, vector<16xi32>], vector<16xf32>,
        %parallel_loop3A_89 = arith.constant 64 : i32
        %parallel_loop3A_90 = vector.broadcast %parallel_loop3A_89 : i32 to vector<16xi32>
        %parallel_loop3A_91 = arith.addi %iota3A, %parallel_loop3A_90 : vector<16xi32>
        %parallel_loop3A_92 = arith.index_cast %parallel_loop3A_60 : i32 to index
        %parallel_loop3A_93 = arith.constant 64 : index
        %parallel_loop3A_94 = tpu.vector_load %arg6[%parallel_loop3A_92, %parallel_loop3A_93] {strides = array<i32>} : memref<8x128xi32, #tpu.memory_space<vmem>>, vector<16xi32>,
        %parallel_loop3A_95 = tpu.vector_load_idx %arg7[%parallel_loop3A_94] : memref<1000xf32, #tpu.memory_space<vmem>>[vector<16xi32>], vector<16xf32>,
        tpu.vector_store_idx %arg8[%parallel_loop3A_94, %parallel_loop3A_91], %parallel_loop3A_95 {add = true} : memref<1000x128xf32, #tpu.memory_space<vmem>>[vector<16xi32>, vector<16xi32>], vector<16xf32>,
        %parallel_loop3A_96 = arith.constant 80 : i32
        %parallel_loop3A_97 = vector.broadcast %parallel_loop3A_96 : i32 to vector<16xi32>
        %parallel_loop3A_98 = arith.addi %iota3A, %parallel_loop3A_97 : vector<16xi32>
        %parallel_loop3A_99 = arith.index_cast %parallel_loop3A_60 : i32 to index
        %parallel_loop3A_100 = arith.constant 80 : index
        %parallel_loop3A_101 = tpu.vector_load %arg6[%parallel_loop3A_99, %parallel_loop3A_100] {strides = array<i32>} : memref<8x128xi32, #tpu.memory_space<vmem>>, vector<16xi32>,
        %parallel_loop3A_102 = tpu.vector_load_idx %arg7[%parallel_loop3A_101] : memref<1000xf32, #tpu.memory_space<vmem>>[vector<16xi32>], vector<16xf32>,
        tpu.vector_store_idx %arg8[%parallel_loop3A_101, %parallel_loop3A_98], %parallel_loop3A_102 {add = true} : memref<1000x128xf32, #tpu.memory_space<vmem>>[vector<16xi32>, vector<16xi32>], vector<16xf32>,
        %parallel_loop3A_103 = arith.constant 96 : i32
        %parallel_loop3A_104 = vector.broadcast %parallel_loop3A_103 : i32 to vector<16xi32>
        %parallel_loop3A_105 = arith.addi %iota3A, %parallel_loop3A_104 : vector<16xi32>
        %parallel_loop3A_106 = arith.index_cast %parallel_loop3A_60 : i32 to index
        %parallel_loop3A_107 = arith.constant 96 : index
        %parallel_loop3A_108 = tpu.vector_load %arg6[%parallel_loop3A_106, %parallel_loop3A_107] {strides = array<i32>} : memref<8x128xi32, #tpu.memory_space<vmem>>, vector<16xi32>,
        %parallel_loop3A_109 = tpu.vector_load_idx %arg7[%parallel_loop3A_108] : memref<1000xf32, #tpu.memory_space<vmem>>[vector<16xi32>], vector<16xf32>,
        tpu.vector_store_idx %arg8[%parallel_loop3A_108, %parallel_loop3A_105], %parallel_loop3A_109 {add = true} : memref<1000x128xf32, #tpu.memory_space<vmem>>[vector<16xi32>, vector<16xi32>], vector<16xf32>,
        %parallel_loop3A_110 = arith.constant 112 : i32
        %parallel_loop3A_111 = vector.broadcast %parallel_loop3A_110 : i32 to vector<16xi32>
        %parallel_loop3A_112 = arith.addi %iota3A, %parallel_loop3A_111 : vector<16xi32>
        %parallel_loop3A_113 = arith.index_cast %parallel_loop3A_60 : i32 to index
        %parallel_loop3A_114 = arith.constant 112 : index
        %parallel_loop3A_115 = tpu.vector_load %arg6[%parallel_loop3A_113, %parallel_loop3A_114] {strides = array<i32>} : memref<8x128xi32, #tpu.memory_space<vmem>>, vector<16xi32>,
        %parallel_loop3A_116 = tpu.vector_load_idx %arg7[%parallel_loop3A_115] : memref<1000xf32, #tpu.memory_space<vmem>>[vector<16xi32>], vector<16xf32>,
        tpu.vector_store_idx %arg8[%parallel_loop3A_115, %parallel_loop3A_112], %parallel_loop3A_116 {add = true} : memref<1000x128xf32, #tpu.memory_space<vmem>>[vector<16xi32>, vector<16xi32>], vector<16xf32>,
      } {sc.loop_unroll_factor = 4 : i64, sc.parallel_access}
      %add3A_53 = arith.constant 2 : i32
      %add3A_54 = arith.addi %add3A_44, %add3A_53 : i32
      %lt3A_55 = arith.constant 25 : i32
      %lt3A_56 = arith.cmpi slt, %add3A_54, %lt3A_55 : i32
      %convert_element_type3A_57 = arith.extui %lt3A_56 : i1 to i32
      %cond3A_58 = arith.constant 0 : i32
      %cond3A_59 = arith.cmpi ne, %convert_element_type3A_57, %cond3A_58 : i32
      scf.if %cond3A_59 {
        %add3A_60 = arith.constant 2 : i32
        %add3A_61 = arith.addi %add3A_44, %add3A_60 : i32
        %mul3A_62 = arith.constant 8 : i32
        %mul3A_63 = arith.muli %add3A_61, %mul3A_62 : i32
        %multiple_of3A_64 = tpu.assume_multiple %mul3A_63, 8 : i32
        %dma_start3A_65 = tpu.memref_slice %arg2[%multiple_of3A_64, %multiple_of3A] : memref<200x4096xi32, #tpu.memory_space<hbm>> -> memref<8x128xi32, #tpu.memory_space<hbm>>
        %dma_start3A_66 = tpu.memref_slice %arg2[%multiple_of3A_64, %multiple_of3A] : memref<200x4096xi32, #tpu.memory_space<hbm>> -> memref<8x128xi32, #tpu.memory_space<hbm>>
        tpu.enqueue_dma source(%dma_start3A_66 : memref<8x128xi32, #tpu.memory_space<hbm>>) target(%arg6 : memref<8x128xi32, #tpu.memory_space<vmem>>) target_semaphore(%arg10 : memref<!tpu.dma_semaphore, #tpu.memory_space<semaphore_mem>>)
      } else {
      }
    }
    %scan3A_17 = arith.constant 12 : i32
    %dma_wait3A = arith.constant 192 : i32
    %dma_wait3A_18 = tpu.memref_slice %arg2[%dma_wait3A, %multiple_of3A] : memref<200x4096xi32, #tpu.memory_space<hbm>> -> memref<8x128xi32, #tpu.memory_space<hbm>>
    %dma_wait3A_19 = arith.constant 192 : i32
    %dma_wait3A_20 = tpu.memref_slice %arg2[%dma_wait3A_19, %multiple_of3A] : memref<200x4096xi32, #tpu.memory_space<hbm>> -> memref<8x128xi32, #tpu.memory_space<hbm>>
    tpu.wait_dma2 semaphore(%arg9 : memref<!tpu.dma_semaphore, #tpu.memory_space<semaphore_mem>>) src(%dma_wait3A_20 : memref<8x128xi32, #tpu.memory_space<hbm>>) dst(%arg5 : memref<8x128xi32, #tpu.memory_space<vmem>>)
    %parallel_loop3A_21 = arith.constant 0 : i32
    %parallel_loop3A_22 = arith.constant 8 : i32
    %parallel_loop3A_23 = arith.constant 1 : i32
    scf.for %parallel_loop3A_24 = %parallel_loop3A_21 to %parallel_loop3A_22 step %parallel_loop3A_23  : i32 {
      %parallel_loop3A_25 = arith.constant 0 : i32
      %parallel_loop3A_26 = vector.broadcast %parallel_loop3A_25 : i32 to vector<16xi32>
      %parallel_loop3A_27 = arith.addi %iota3A, %parallel_loop3A_26 : vector<16xi32>
      %parallel_loop3A_28 = arith.index_cast %parallel_loop3A_24 : i32 to index
      %parallel_loop3A_29 = arith.constant 0 : index
      %parallel_loop3A_30 = tpu.vector_load %arg5[%parallel_loop3A_28, %parallel_loop3A_29] {strides = array<i32>} : memref<8x128xi32, #tpu.memory_space<vmem>>, vector<16xi32>,
      %parallel_loop3A_31 = tpu.vector_load_idx %arg7[%parallel_loop3A_30] : memref<1000xf32, #tpu.memory_space<vmem>>[vector<16xi32>], vector<16xf32>,
      tpu.vector_store_idx %arg8[%parallel_loop3A_30, %parallel_loop3A_27], %parallel_loop3A_31 {add = true} : memref<1000x128xf32, #tpu.memory_space<vmem>>[vector<16xi32>, vector<16xi32>], vector<16xf32>,
      %parallel_loop3A_32 = arith.constant 16 : i32
      %parallel_loop3A_33 = vector.broadcast %parallel_loop3A_32 : i32 to vector<16xi32>
      %parallel_loop3A_34 = arith.addi %iota3A, %parallel_loop3A_33 : vector<16xi32>
      %parallel_loop3A_35 = arith.index_cast %parallel_loop3A_24 : i32 to index
      %parallel_loop3A_36 = arith.constant 16 : index
      %parallel_loop3A_37 = tpu.vector_load %arg5[%parallel_loop3A_35, %parallel_loop3A_36] {strides = array<i32>} : memref<8x128xi32, #tpu.memory_space<vmem>>, vector<16xi32>,
      %parallel_loop3A_38 = tpu.vector_load_idx %arg7[%parallel_loop3A_37] : memref<1000xf32, #tpu.memory_space<vmem>>[vector<16xi32>], vector<16xf32>,
      tpu.vector_store_idx %arg8[%parallel_loop3A_37, %parallel_loop3A_34], %parallel_loop3A_38 {add = true} : memref<1000x128xf32, #tpu.memory_space<vmem>>[vector<16xi32>, vector<16xi32>], vector<16xf32>,
      %parallel_loop3A_39 = arith.constant 32 : i32
      %parallel_loop3A_40 = vector.broadcast %parallel_loop3A_39 : i32 to vector<16xi32>
      %parallel_loop3A_41 = arith.addi %iota3A, %parallel_loop3A_40 : vector<16xi32>
      %parallel_loop3A_42 = arith.index_cast %parallel_loop3A_24 : i32 to index
      %parallel_loop3A_43 = arith.constant 32 : index
      %parallel_loop3A_44 = tpu.vector_load %arg5[%parallel_loop3A_42, %parallel_loop3A_43] {strides = array<i32>} : memref<8x128xi32, #tpu.memory_space<vmem>>, vector<16xi32>,
      %parallel_loop3A_45 = tpu.vector_load_idx %arg7[%parallel_loop3A_44] : memref<1000xf32, #tpu.memory_space<vmem>>[vector<16xi32>], vector<16xf32>,
      tpu.vector_store_idx %arg8[%parallel_loop3A_44, %parallel_loop3A_41], %parallel_loop3A_45 {add = true} : memref<1000x128xf32, #tpu.memory_space<vmem>>[vector<16xi32>, vector<16xi32>], vector<16xf32>,
      %parallel_loop3A_46 = arith.constant 48 : i32
      %parallel_loop3A_47 = vector.broadcast %parallel_loop3A_46 : i32 to vector<16xi32>
      %parallel_loop3A_48 = arith.addi %iota3A, %parallel_loop3A_47 : vector<16xi32>
      %parallel_loop3A_49 = arith.index_cast %parallel_loop3A_24 : i32 to index
      %parallel_loop3A_50 = arith.constant 48 : index
      %parallel_loop3A_51 = tpu.vector_load %arg5[%parallel_loop3A_49, %parallel_loop3A_50] {strides = array<i32>} : memref<8x128xi32, #tpu.memory_space<vmem>>, vector<16xi32>,
      %parallel_loop3A_52 = tpu.vector_load_idx %arg7[%parallel_loop3A_51] : memref<1000xf32, #tpu.memory_space<vmem>>[vector<16xi32>], vector<16xf32>,
      tpu.vector_store_idx %arg8[%parallel_loop3A_51, %parallel_loop3A_48], %parallel_loop3A_52 {add = true} : memref<1000x128xf32, #tpu.memory_space<vmem>>[vector<16xi32>, vector<16xi32>], vector<16xf32>,
      %parallel_loop3A_53 = arith.constant 64 : i32
      %parallel_loop3A_54 = vector.broadcast %parallel_loop3A_53 : i32 to vector<16xi32>
      %parallel_loop3A_55 = arith.addi %iota3A, %parallel_loop3A_54 : vector<16xi32>
      %parallel_loop3A_56 = arith.index_cast %parallel_loop3A_24 : i32 to index
      %parallel_loop3A_57 = arith.constant 64 : index
      %parallel_loop3A_58 = tpu.vector_load %arg5[%parallel_loop3A_56, %parallel_loop3A_57] {strides = array<i32>} : memref<8x128xi32, #tpu.memory_space<vmem>>, vector<16xi32>,
      %parallel_loop3A_59 = tpu.vector_load_idx %arg7[%parallel_loop3A_58] : memref<1000xf32, #tpu.memory_space<vmem>>[vector<16xi32>], vector<16xf32>,
      tpu.vector_store_idx %arg8[%parallel_loop3A_58, %parallel_loop3A_55], %parallel_loop3A_59 {add = true} : memref<1000x128xf32, #tpu.memory_space<vmem>>[vector<16xi32>, vector<16xi32>], vector<16xf32>,
      %parallel_loop3A_60 = arith.constant 80 : i32
      %parallel_loop3A_61 = vector.broadcast %parallel_loop3A_60 : i32 to vector<16xi32>
      %parallel_loop3A_62 = arith.addi %iota3A, %parallel_loop3A_61 : vector<16xi32>
      %parallel_loop3A_63 = arith.index_cast %parallel_loop3A_24 : i32 to index
      %parallel_loop3A_64 = arith.constant 80 : index
      %parallel_loop3A_65 = tpu.vector_load %arg5[%parallel_loop3A_63, %parallel_loop3A_64] {strides = array<i32>} : memref<8x128xi32, #tpu.memory_space<vmem>>, vector<16xi32>,
      %parallel_loop3A_66 = tpu.vector_load_idx %arg7[%parallel_loop3A_65] : memref<1000xf32, #tpu.memory_space<vmem>>[vector<16xi32>], vector<16xf32>,
      tpu.vector_store_idx %arg8[%parallel_loop3A_65, %parallel_loop3A_62], %parallel_loop3A_66 {add = true} : memref<1000x128xf32, #tpu.memory_space<vmem>>[vector<16xi32>, vector<16xi32>], vector<16xf32>,
      %parallel_loop3A_67 = arith.constant 96 : i32
      %parallel_loop3A_68 = vector.broadcast %parallel_loop3A_67 : i32 to vector<16xi32>
      %parallel_loop3A_69 = arith.addi %iota3A, %parallel_loop3A_68 : vector<16xi32>
      %parallel_loop3A_70 = arith.index_cast %parallel_loop3A_24 : i32 to index
      %parallel_loop3A_71 = arith.constant 96 : index
      %parallel_loop3A_72 = tpu.vector_load %arg5[%parallel_loop3A_70, %parallel_loop3A_71] {strides = array<i32>} : memref<8x128xi32, #tpu.memory_space<vmem>>, vector<16xi32>,
      %parallel_loop3A_73 = tpu.vector_load_idx %arg7[%parallel_loop3A_72] : memref<1000xf32, #tpu.memory_space<vmem>>[vector<16xi32>], vector<16xf32>,
      tpu.vector_store_idx %arg8[%parallel_loop3A_72, %parallel_loop3A_69], %parallel_loop3A_73 {add = true} : memref<1000x128xf32, #tpu.memory_space<vmem>>[vector<16xi32>, vector<16xi32>], vector<16xf32>,
      %parallel_loop3A_74 = arith.constant 112 : i32
      %parallel_loop3A_75 = vector.broadcast %parallel_loop3A_74 : i32 to vector<16xi32>
      %parallel_loop3A_76 = arith.addi %iota3A, %parallel_loop3A_75 : vector<16xi32>
      %parallel_loop3A_77 = arith.index_cast %parallel_loop3A_24 : i32 to index
      %parallel_loop3A_78 = arith.constant 112 : index
      %parallel_loop3A_79 = tpu.vector_load %arg5[%parallel_loop3A_77, %parallel_loop3A_78] {strides = array<i32>} : memref<8x128xi32, #tpu.memory_space<vmem>>, vector<16xi32>,
      %parallel_loop3A_80 = tpu.vector_load_idx %arg7[%parallel_loop3A_79] : memref<1000xf32, #tpu.memory_space<vmem>>[vector<16xi32>], vector<16xf32>,
      tpu.vector_store_idx %arg8[%parallel_loop3A_79, %parallel_loop3A_76], %parallel_loop3A_80 {add = true} : memref<1000x128xf32, #tpu.memory_space<vmem>>[vector<16xi32>, vector<16xi32>], vector<16xf32>,
    } {sc.loop_unroll_factor = 4 : i64, sc.parallel_access}
    "tpu.region"() ({
      %run_scoped3A = tpu.sem_alloc : memref<!tpu.dma_semaphore, #tpu.memory_space<semaphore_mem>>
      %dma_start3A_24 = arith.constant 0 : i32
      %dma_start3A_25 = tpu.memref_slice %arg4[%dma_start3A_24, %multiple_of3A] : memref<1000x4096xf32, #tpu.memory_space<hbm>> -> memref<1000x128xf32, #tpu.memory_space<hbm>>
      %dma_start3A_26 = arith.constant 0 : i32
      %dma_start3A_27 = tpu.memref_slice %arg4[%dma_start3A_26, %multiple_of3A] : memref<1000x4096xf32, #tpu.memory_space<hbm>> -> memref<1000x128xf32, #tpu.memory_space<hbm>>
      tpu.enqueue_dma source(%arg8 : memref<1000x128xf32, #tpu.memory_space<vmem>>) target(%dma_start3A_27 : memref<1000x128xf32, #tpu.memory_space<hbm>>) target_semaphore(%run_scoped3A : memref<!tpu.dma_semaphore, #tpu.memory_space<semaphore_mem>>)
      %dma_wait3A_28 = arith.constant 0 : i32
      %dma_wait3A_29 = tpu.memref_slice %arg4[%dma_wait3A_28, %multiple_of3A] : memref<1000x4096xf32, #tpu.memory_space<hbm>> -> memref<1000x128xf32, #tpu.memory_space<hbm>>
      %dma_wait3A_30 = arith.constant 0 : i32
      %dma_wait3A_31 = tpu.memref_slice %arg4[%dma_wait3A_30, %multiple_of3A] : memref<1000x4096xf32, #tpu.memory_space<hbm>> -> memref<1000x128xf32, #tpu.memory_space<hbm>>
      tpu.wait_dma2 semaphore(%run_scoped3A : memref<!tpu.dma_semaphore, #tpu.memory_space<semaphore_mem>>) src(%arg8 : memref<1000x128xf32, #tpu.memory_space<vmem>>) dst(%dma_wait3A_31 : memref<1000x128xf32, #tpu.memory_space<hbm>>)
      tpu.yield
    }) : () -> ()
    return
  }
}

</mosaic_0001>

<sc_bundles>
// kernel: kernel.3.cloned.1.call-start
scs
__scs_entry_jumppad:
0x0: {  	(pc) =	sbr.rel $0x88, $3  }
0x1: {  	(tag) =	ssettag $0x0;
	lr =	simm.s32 $0x1  }
0x2: {  	[smem:$0x3F9F] =	sst lr;
	_ =	strace $0xD0000000  }
0x3: {  	_ = 	snop  }
0x4: {  	_ = 	snop  }
0x5: {  	_ = 	snop  }
0x6: {  	_ = 	snop  }
0x7: {  	_ = 	snop  }
__scs_overlays_trampoline_lowered:
0x8: {  	[smem:$0x3FAE] =	sst s0  }
0x9: {  	[smem:$0x3FAF] =	sst s1  }
0xa: {  	[smem:$0x3FB0] =	sst s2  }
0xb: {  	[smem:$0x3FB1] =	sst s3  }
0xc: {  	[smem:$0x3FB2] =	sst s4  }
0xd: {  	[smem:$0x3FB3] =	sst s5  }
0xe: {  	[smem:$0x3FB4] =	sst s6  }
0xf: {  	[smem:$0x3FB5] =	sst s7  }
0x10: {  	[smem:$0x3FB6] =	sst s8  }
0x11: {  	[smem:$0x3FB7] =	sst s9;
	s0 =	simm.s32 @!p0 $0x0  }
0x12: {  	s1 =	sld [smem:$0x3F9D];
	s0 =	simm.s32 @p0 $0x1  }
0x13: {  	[smem:$0x3FB8] =	sst s0;
	s0 =	simm.s32 @!p1 $0x0  }
0x14: {  	s2 =	sld [smem:$0x3F9C];
	s0 =	simm.s32 @p1 $0x1  }
0x15: {  	[smem:$0x3FB9] =	sst s0;
	s0 =	simm.s32 @!p2 $0x0  }
0x16: {  	s3 =	sld [smem:$0x3FDB];
	s0 =	simm.s32 @p2 $0x1  }
0x17: {  	s4 =	simm.s32 $0x1BF5;
	[smem:$0x3FBB] =	sst s0  }
0x18: {  	s0 =	sld [smem:$0x3F9E];
	_ =	swait.ge [sflag:s4], $0x0  }
0x19: {  	s7 =	sld [smem:$0x3F9F]  }
0x1a: {  	s8 =	sadd.s32 $0xFFFFE003, lr  }
0x1b: {  	s9 =	sadd.s32 $0xFFFFFEF7, lr;
	s5 =	simm.s32 $0xFFFFFFFF;
	p2 =	slt.u32 s8, $0xFFFFF086  }
0x1c: {  	p1 =	slt.u32 s9, $0xF7A;
	s5 =	simm.s32 @!p2 $0x0  }
0x1d: {  	s5 =	simm.s32 @p1 $0x1;
	p0 =	seq.s32 s7, s2  }
0x1e: {  	s7 =	smul.u32 @!p0 $0xF7A, s2;
	p2 =	seq.s32 @!p0 s5, $0x0  }
0x1f: {  	s9 =	smul.u32 $0xF7A, s1;
	s8 =	simm.s32 @!p0 $0x1BF5;
	p2 =	por !p2, p0  }
0x20: {  	[sflag:s8] =	ssyncset.s32 @!p0 $0xFFFFF086;
	s6 =	sadd.s32 @!p0 s3, s7;
	s7 =	simm.s32 @!p0 $0x108  }
0x21: {  	s3 =	sadd.s32 s3, s9;
	s6 =	sadd.s32 @!p0 $0x88, s6;
	s7 =	simm.s32 @p2 $0x1082  }
0x22: {  	[simem:s7], [sflag:s8] =	dma.local @!p0 [hbm:s6], $0xF7A  }
0x23: {  	s9 =	sor.u32 $0xD0000000, s2;
	s6 =	simm.s32 $0x108;
	_ =	swait.ge @!p0 [sflag:s8], $0x0  }
0x24: {  	s3 =	sadd.s32 $0x88, s3;
	s6 =	simm.s32 @!p1 $0x1082;
	[sflag:s4] =	ssyncset.s32 $0xFFFFF086  }
0x25: {  	[simem:s6], [sflag:s4] =	dma.local [hbm:s3], $0xF7A  }
0x26: {  	[smem:$0x3F9F] =	sst s1;
	(tag) =	ssettag s2;
	_ =	strace s9  }
0x27: {  	s1 =	sld [smem:$0x3FAF]  }
0x28: {  	s2 =	sld [smem:$0x3FB0]  }
0x29: {  	s4 =	sld [smem:$0x3FB2]  }
0x2a: {  	p0 =	seq.s32 s5, $0x0;
	s5 =	sld [smem:$0x3FB3]  }
0x2b: {  	s6 =	sld [smem:$0x3FB4]  }
0x2c: {  	s7 =	sld [smem:$0x3FB5]  }
0x2d: {  	s3 =	simm.s32 $0x108;
	s8 =	sld [smem:$0x3FB6]  }
0x2e: {  	s3 =	simm.s32 @!p0 $0x1082;
	s9 =	sld [smem:$0x3FB7]  }
0x2f: {  	lr =	sadd.s32 s0, s3;
	s0 =	sld [smem:$0x3FAE]  }
0x30: {  	s3 =	sld [smem:$0x3FB1]  }
0x31: {  	[smem:$0x3FBA] =	sst s10  }
0x32: {  	s10 =	sld [smem:$0x3FB8];
	_ =	sdelay $0x3  }
0x33: {  	p0 =	seq.s32 s10, $0x1;
	s10 =	sld [smem:$0x3FBA];
	_ =	sdelay $0x3  }
0x34: {  	[smem:$0x3FBA] =	sst s10  }
0x35: {  	s10 =	sld [smem:$0x3FB9];
	_ =	sdelay $0x3  }
0x36: {  	p1 =	seq.s32 s10, $0x1;
	s10 =	sld [smem:$0x3FBA];
	_ =	sdelay $0x3  }
0x37: {  	[smem:$0x3FBA] =	sst s10  }
0x38: {  	s10 =	sld [smem:$0x3FBB]  }
0x39: {  	_ = 	snop;
	(pc) =	sbr.ind lr, $3  }
0x3a: {  	_ = 	snop  }
0x3b: {  	_ = 	snop  }
0x3c: {  	p2 =	seq.s32 s10, $0x1;
	s10 =	sld [smem:$0x3FBA]  }
0x3d: {  	_ =	shalt  }
0x3e: {  	_ =	shalt  }
0x3f: {  	_ =	shalt  }
0x40: {  	_ =	shalt  }
0x41: {  	_ =	shalt  }
0x42: {  	_ =	shalt  }
0x43: {  	_ =	shalt  }
0x44: {  	_ =	shalt  }
0x45: {  	_ =	shalt  }
0x46: {  	_ =	shalt  }
0x47: {  	_ =	shalt  }
0x48: {  	_ =	shalt  }
0x49: {  	_ =	shalt  }
0x4a: {  	_ =	shalt  }
0x4b: {  	_ =	shalt  }
0x4c: {  	_ =	shalt  }
0x4d: {  	_ =	shalt  }
0x4e: {  	_ =	shalt  }
0x4f: {  	_ =	shalt  }
0x50: {  	_ =	shalt  }
0x51: {  	_ =	shalt  }
0x52: {  	_ =	shalt  }
0x53: {  	_ =	shalt  }
0x54: {  	_ =	shalt  }
0x55: {  	_ =	shalt  }
0x56: {  	_ =	shalt  }
0x57: {  	_ =	shalt  }
0x58: {  	_ =	shalt  }
0x59: {  	_ =	shalt  }
0x5a: {  	_ =	shalt  }
0x5b: {  	_ =	shalt  }
0x5c: {  	_ =	shalt  }
0x5d: {  	_ =	shalt  }
0x5e: {  	_ =	shalt  }
0x5f: {  	_ =	shalt  }
0x60: {  	_ =	shalt  }
0x61: {  	_ =	shalt  }
0x62: {  	_ =	shalt  }
0x63: {  	_ =	shalt  }
0x64: {  	_ =	shalt  }
0x65: {  	_ =	shalt  }
0x66: {  	_ =	shalt  }
0x67: {  	_ =	shalt  }
0x68: {  	_ =	shalt  }
0x69: {  	_ =	shalt  }
0x6a: {  	_ =	shalt  }
0x6b: {  	_ =	shalt  }
0x6c: {  	_ =	shalt  }
0x6d: {  	_ =	shalt  }
0x6e: {  	_ =	shalt  }
0x6f: {  	_ =	shalt  }
0x70: {  	_ =	shalt  }
0x71: {  	_ =	shalt  }
0x72: {  	_ =	shalt  }
0x73: {  	_ =	shalt  }
0x74: {  	_ =	shalt  }
0x75: {  	_ =	shalt  }
0x76: {  	_ =	shalt  }
0x77: {  	_ =	shalt  }
0x78: {  	_ =	shalt  }
0x79: {  	_ =	shalt  }
0x7a: {  	_ =	shalt  }
0x7b: {  	_ =	shalt  }
0x7c: {  	_ =	shalt  }
0x7d: {  	_ =	shalt  }
0x7e: {  	_ =	shalt  }
0x7f: {  	_ =	shalt  }
0x80: {  	_ =	shalt  }
0x81: {  	_ =	shalt  }
0x82: {  	_ =	shalt  }
0x83: {  	_ =	shalt  }
0x84: {  	_ =	shalt  }
0x85: {  	_ =	shalt  }
0x86: {  	_ =	shalt  }
0x87: {  	_ =	shalt  }
.Lfunc_end0:
.L_simem_size_0:
called_computation_lowered:
.L_overlay_start_0:
0x88: {  	s2 =	sld [smem:$0x3FD9]  }
0x89: {  	s3 =	sld [smem:$0x3FFE];
	_ =	sdelay $0x1  }
0x8a: {  	s1 =	srdreg.scid  }
0x8b: {  	s0 =	sand.u32 $0x1, s1  }
0x8c: {  	s18 =	sshll.u32 s0, $0xA;
	s2 =	sadd.s32 s3, s2  }
0x8d: {  	s2 =	sadd.s32 s2, s18  }
0x8e: {  	[smem:$0x3FC6] =	sst s2  }
0x8f: {  	_ = 	snop  }
0x90: {  	s2 =	sld [smem:$0x3FC9]  }
0x91: {  	s19 =	sld [smem:$0x3FC8]  }
0x92: {  	s4 =	sld [smem:$0x3FD0];
	(tm) =	ssettm $0x1  }
0x93: {  	s5 =	sld [smem:$0x3FFB];
	_ =	sdelay $0x3  }
0x94: {  	_ =	strace s5  }
0x95: {  	s5 =	sld [smem:$0x3FFC];
	_ =	sdelay $0x3  }
0x96: {  	_ =	strace s5  }
0x97: {  	s5 =	sld [smem:$0x3FFD];
	_ =	sdelay $0x3  }
0x98: {  	_ =	strace s5  }
0x99: {  	_ =	strace $0x8FFFFFFF  }
0x9a: {  	s20 =	sld [smem:$0x3FDB];
	_ =	sdelay $0x1  }
0x9b: {  	s6 =	simm.s32 $_scs_section_size  }
0x9c: {  	s7 =	simm.s32 $_size__tile_overlayer_lowered;
	s8 =	simm.s32 $_tile_overlayer_lowered  }
0x9d: {  	s23 =	simm.s32 $0x1BFF;
	s22 =	sshll.u32 s8, $0x1;
	s5 =	sadd.s32 s6, s20  }
0x9e: {  	s9 =	simm.s32 $0x0;
	s21 =	sshll.u32 s7, $0x1;
	s7 =	sadd.s32 s22, s5  }
0x9f: {  	[timem:s9], [sflag:s23] =	dma.local [hbm:s7], s21  }
0xa0: {  	_ =	swait.ge [sflag:s23], s21  }
0xa1: {  	s6 =	ssub.s32 $0x0, s21;
	[sflag:s23] =	ssyncset.done $0x0  }
0xa2: {  	[sflag:s23] =	ssyncadd.s32 s6;
	_ =	sdelay $0x1  }
0xa3: {  	s24 =	simm.s32 $0x1B8B  }
0xa4: {  	_ =	swait.ge [sflag:s24], $0x1  }
0xa5: {  	[sflag:s24] =	ssyncset.done $0x0  }
0xa6: {  	s25 =	simm.s32 $0x1B8E;
	[sflag:s24] =	ssyncadd.s32 $0xFFFFFFFF  }
0xa7: {  	s26 =	simm.s32 $execute0_lowered;
	[smem:$0x3FD2] =	sst s25  }
0xa8: {  	s6 =	sshll.u32 s26, $0x1;
	_ =	strace $0x80000046;
	[dreg:$0x1] =	wrdreg $0xFFFFFFFF  }
0xa9: {  	s28 =	simm.s32 $_size_execute0_lowered;
	s5 =	sadd.s32 s5, s6;
	[dreg:$0x0] =	wrdreg $0x0  }
0xaa: {  	s6 =	sshll.u32 s28, $0x1;
	[dreg:$0x2] =	wrdreg s5  }
0xab: {  	[dreg:$0x3] =	wrdreg s6  }
0xac: {  	[dreg:$0x4] =	wrdreg $0xC0  }
0xad: {  	_ =	task [dreg:s9], $0x5FFFF  }
0xae: {  	[dreg:$0x1] =	wrdreg $0xFFFFFFFF  }
0xaf: {  	[dreg:$0x0] =	wrdreg $0x60  }
0xb0: {  	[dreg:$0x2] =	wrdreg s2  }
0xb1: {  	[dreg:$0x3] =	wrdreg s19  }
0xb2: {  	[dreg:$0x4] =	wrdreg s4  }
0xb3: {  	[dreg:$0x5] =	wrdreg $0x9  }
0xb4: {  	_ =	task.clear_ibuf [dreg:s9], $0x6FFFF;
	_ =	strace $0x90000046  }
0xb5: {  	s29 =	simm.s32 $0x9;
	_ =	strace $0x80000048  }
0xb6: {  	_ =	swait.ge [sflag:s29], $0x1  }
0xb7: {  	[sflag:s29] =	ssyncadd.s32 $0xFFFFFFFF  }
0xb8: {  	_ =	strace $0x90000048  }
0xb9: {  	_ =	sfence  }
0xba: {  	s30 =	sld [smem:$0x0];
	_ =	sdelay $0x2  }
0xbb: {  	s31 =	sshll.u32 s1, $0xD;
	s1 =	sshrl.u32 s1, $0x2  }
0xbc: {  	s3 =	sand.u32 $0x4000, s31;
	s1 =	sadd.s32 s1, s30  }
0xbd: {  	s0 =	sor.u32 s3, s0;
	s1 =	sshll.u32 s1, $0x11  }
0xbe: {  	s0 =	sor.u32 s1, s0  }
0xbf: {  	s0 =	sadd.s32 $0x8F2B, s0  }
0xc0: {  	[sflag:s0] =	ssyncadd.remote.s32 $0x1  }
0xc1: {  	_ =	sfence.sel $0xFFFF  }
0xc2: {  	[dreg:$0x0] =	wrdreg $0xFFFFFFFF;
	(pc) =	sbr.abs _section_cstart, $3  }
0xc3: {  	[dreg:$0x1] =	wrdreg $0xFFFFFFFF  }
0xc4: {  	_ =	task.clear_ibuf [dreg:s9], $0x2FFFF;
	_ =	strace $0x9FFFFFFF  }
0xc5: {  	(tm) =	ssettm $0x7FFFFFFF  }
tec
execute0_lowered:
.L_overlay_start_1:
0x0: {  	(tag) =	ssettag $0x1  }
0x1: {  	s1 =	rddreg [dreg:$0x0];
	s2 =	srdreg.scid  }
0x2: {  	s3 =	rddreg [dreg:$0x1];
	s0 =	stileid.u32  }
0x3: {  	s9 =	rddreg [dreg:$0x2];
	s12 =	simm.s32 $0x3;
	s13 =	simm.s32 $0x400  }
0x4: {  	s14 =	simm.s32 $0x1;
	s15 =	simm.s32 $0xC00;
	s16 =	simm.s32 $0x2  }
0x5: {  	s17 =	simm.s32 $0x8000;
	s18 =	simm.s32 $0x0;
	s5 =	sand.u32 $0x1, s2  }
0x6: {  	s4 =	sshll.u32 s0, $0xB;
	s2 =	rddreg [dreg:$0x3];
	s6 =	sshll.u32 s5, $0xA  }
0x7: {  	s31 =	ssub.s32 $0x2, s5;
	s8 =	sor.u32 s6, s4;
	s4 =	simm.s32 $0x0  }
0x8: {  	v0 =	vlaneseq.u32;
	s7 =	sshrl.u32 s31, $0x1;
	s10 =	sshrl.u32 s8, $0x3;
	[smem:$0x7FF] =	sst s4  }
0x9: {  	v1 =	vimm.f32 $0.0e+00;
	v2 =	vor.u32 $0x10, v0;
	s11 =	ssub.s32 s31, s7;
	s7 =	sor.u32 $0x10000, s8;
	s8 =	sor.u32 $0x18000, s8  }
0xa: {  	v3 =	vor.u32 $0x20, v0;
	v4 =	vor.u32 $0x30, v0;
	v5 =	vor.u32 $0x40, v0;
	s5 =	sadd.s32 s1, s10;
	_ =	strace $0x80000047;
	s9 =	sadd.s32 s9, s10  }
0xb: {  	v6 =	vor.u32 $0x50, v0;
	v7 =	vor.u32 $0x60, v0;
	v8 =	vor.u32 $0x70, v0;
	s10 =	smax.u32 s11, $0x1;
	s11 =	simm.s32 $0x800;
	s6 =	sadd.s32 $0x1000, s5  }
.LBB2_1:
0xc: {  	[tilespmem:s4], [sflag:$0x1] =	stream.linear.gather [hbm4b:s5+s4], $0x400, $0x38;
	v63 =	vld [tilespmem:$0x0]  }
0xd: {  	_ = 	snop  }
0xe: {  	[tilespmem:s11], [sflag:$0x3] =	stream.linear.gather [hbm4b:s3+s4], $0x400, $0x38;
	v63 =	vld [tilespmem:$0x0]  }
0xf: {  	_ =	swait.ge [sflag:s12], $0x400  }
0x10: {  	[sflag:s12] =	ssyncset.done $0x0  }
0x11: {  	s19 =	simm.s32 $0xD00;
	[sflag:s12] =	ssyncadd.s32 $0xFFFFFC00  }
0x12: {  	[tilespmem:s19+$0xFFFFFF00] =	vst v1  }
0x13: {  	[tilespmem:s19+$0xF0] =	vst v1  }
0x14: {  	[tilespmem:s19+$0xE0] =	vst v1  }
0x15: {  	[tilespmem:s19+$0xD0] =	vst v1  }
0x16: {  	[tilespmem:s19+$0xC0] =	vst v1  }
0x17: {  	[tilespmem:s19+$0xB0] =	vst v1  }
0x18: {  	[tilespmem:s19+$0xA0] =	vst v1  }
0x19: {  	[tilespmem:s19+$0x90] =	vst v1  }
0x1a: {  	[tilespmem:s19+$0x80] =	vst v1  }
0x1b: {  	[tilespmem:s19+$0x70] =	vst v1  }
0x1c: {  	[tilespmem:s19+$0x60] =	vst v1  }
0x1d: {  	[tilespmem:s19+$0x50] =	vst v1  }
0x1e: {  	[tilespmem:s19+$0x40] =	vst v1  }
0x1f: {  	[tilespmem:s19+$0x30] =	vst v1  }
0x20: {  	[tilespmem:s19+$0x20] =	vst v1  }
0x21: {  	[tilespmem:s19+$0x10] =	vst v1  }
0x22: {  	[tilespmem:s19+$0x0] =	vst v1  }
0x23: {  	[tilespmem:s19+$0xFFFFFFF0] =	vst v1  }
0x24: {  	[tilespmem:s19+$0xFFFFFFE0] =	vst v1  }
0x25: {  	[tilespmem:s19+$0xFFFFFFD0] =	vst v1  }
0x26: {  	[tilespmem:s19+$0xFFFFFFC0] =	vst v1  }
0x27: {  	[tilespmem:s19+$0xFFFFFFB0] =	vst v1  }
0x28: {  	[tilespmem:s19+$0xFFFFFFA0] =	vst v1  }
0x29: {  	[tilespmem:s19+$0xFFFFFF90] =	vst v1  }
0x2a: {  	[tilespmem:s19+$0xFFFFFF80] =	vst v1  }
0x2b: {  	[tilespmem:s19+$0xFFFFFF70] =	vst v1  }
0x2c: {  	[tilespmem:s19+$0xFFFFFF60] =	vst v1  }
0x2d: {  	[tilespmem:s19+$0xFFFFFF50] =	vst v1  }
0x2e: {  	[tilespmem:s19+$0xFFFFFF40] =	vst v1  }
0x2f: {  	[tilespmem:s19+$0xFFFFFF30] =	vst v1  }
0x30: {  	s20 =	simm.s32 $0x0;
	[tilespmem:s19+$0xFFFFFF20] =	vst v1  }
.LBB2_2:
0x31: {  	s20 =	sadd.s32 $0x4, s20;
	[tilespmem:s19+$0xFFFFFF10] =	vst v1;
	s19 =	sadd.s32 $0x200, s19  }
0x32: {  	[tilespmem:s19+$0xFFFFFF00] =	vst v1;
	p0 =	slt.u32 s20, $0x3E4  }
0x33: {  	[tilespmem:s19+$0xF0] =	vst v1  }
0x34: {  	[tilespmem:s19+$0xE0] =	vst v1  }
0x35: {  	[tilespmem:s19+$0xD0] =	vst v1  }
0x36: {  	[tilespmem:s19+$0xC0] =	vst v1  }
0x37: {  	[tilespmem:s19+$0xB0] =	vst v1  }
0x38: {  	[tilespmem:s19+$0xA0] =	vst v1  }
0x39: {  	[tilespmem:s19+$0x90] =	vst v1  }
0x3a: {  	[tilespmem:s19+$0x80] =	vst v1  }
0x3b: {  	[tilespmem:s19+$0x70] =	vst v1  }
0x3c: {  	[tilespmem:s19+$0x60] =	vst v1  }
0x3d: {  	[tilespmem:s19+$0x50] =	vst v1  }
0x3e: {  	[tilespmem:s19+$0x40] =	vst v1  }
0x3f: {  	[tilespmem:s19+$0x30] =	vst v1  }
0x40: {  	[tilespmem:s19+$0x20] =	vst v1  }
0x41: {  	[tilespmem:s19+$0x10] =	vst v1  }
0x42: {  	[tilespmem:s19+$0x0] =	vst v1  }
0x43: {  	[tilespmem:s19+$0xFFFFFFF0] =	vst v1  }
0x44: {  	[tilespmem:s19+$0xFFFFFFE0] =	vst v1  }
0x45: {  	[tilespmem:s19+$0xFFFFFFD0] =	vst v1  }
0x46: {  	[tilespmem:s19+$0xFFFFFFC0] =	vst v1  }
0x47: {  	[tilespmem:s19+$0xFFFFFFB0] =	vst v1  }
0x48: {  	[tilespmem:s19+$0xFFFFFFA0] =	vst v1  }
0x49: {  	[tilespmem:s19+$0xFFFFFF90] =	vst v1  }
0x4a: {  	[tilespmem:s19+$0xFFFFFF80] =	vst v1  }
0x4b: {  	[tilespmem:s19+$0xFFFFFF70] =	vst v1  }
.Ltmp0:
0x4c: {  	[tilespmem:s19+$0xFFFFFF60] =	vst v1;
	(pc) =	sbr.rel @p0 .LBB2_2-.Ltmp0, $4  }
0x4d: {  	[tilespmem:s19+$0xFFFFFF50] =	vst v1  }
0x4e: {  	[tilespmem:s19+$0xFFFFFF40] =	vst v1  }
0x4f: {  	[tilespmem:s19+$0xFFFFFF30] =	vst v1  }
0x50: {  	[tilespmem:s19+$0xFFFFFF20] =	vst v1  }
0x51: {  	[tilespmem:s19+$0xFFFFFF10] =	vst v1;
	s19 =	simm.s32 $0x0  }
0x52: {  	[tilespmem:s13], [sflag:$0x2] =	stream.linear.gather [hbm4b:s6+s19], $0x400, $0x38;
	v63 =	vld [tilespmem:$0x0]  }
.LBB2_4:
0x53: {  	_ =	swait.ge [sflag:s14], $0x400  }
0x54: {  	[sflag:s14] =	ssyncset.done $0x0  }
0x55: {  	p0 =	por $0x1, $0x1;
	s20 =	simm.s32 $0x0;
	[sflag:s14] =	ssyncadd.s32 $0xFFFFFC00  }
.LBB2_5:
0x56: {  	s21 =	sshra.s32 s20, $0x2  }
0x57: {  	v9 =	vld [tilespmem:s21+$0x0];
	_ =	sdelay $0x6  }
0x58: {  	s20 =	simm.s32 $0x800;
	v10 =	vshll.u32 v9, $0x7  }
0x59: {  	v10 =	vor.u32 v0, v10;
	v9 =	vld.idx.msk [tilespmem:v9+s20+$0x0], $0xffff;
	_ =	sdelay $0x4  }
0x5a: {  	[tilespmem:v10+s15+$0x0] =	vst.idx.add.f32.msk $0xffff, v9  }
0x5b: {  	v9 =	vld [tilespmem:s21+$0x10];
	_ =	sdelay $0x6  }
0x5c: {  	v10 =	vshll.u32 v9, $0x7  }
0x5d: {  	v10 =	vor.u32 v2, v10;
	v9 =	vld.idx.msk [tilespmem:v9+s20+$0x0], $0xffff;
	_ =	sdelay $0x4  }
0x5e: {  	[tilespmem:v10+s15+$0x0] =	vst.idx.add.f32.msk $0xffff, v9  }
0x5f: {  	v9 =	vld [tilespmem:s21+$0x20];
	_ =	sdelay $0x6  }
0x60: {  	v10 =	vshll.u32 v9, $0x7  }
0x61: {  	v10 =	vor.u32 v3, v10;
	v9 =	vld.idx.msk [tilespmem:v9+s20+$0x0], $0xffff;
	_ =	sdelay $0x4  }
0x62: {  	[tilespmem:v10+s15+$0x0] =	vst.idx.add.f32.msk $0xffff, v9  }
0x63: {  	v9 =	vld [tilespmem:s21+$0x30];
	_ =	sdelay $0x3  }
0x64: {  	v13 =	vld [tilespmem:s21+$0x180]  }
0x65: {  	v10 =	vld [tilespmem:s21+$0x80];
	_ =	sdelay $0x1  }
0x66: {  	v11 =	vld [tilespmem:s21+$0x100]  }
0x67: {  	v12 =	vld.idx.msk [tilespmem:v9+s20+$0x0], $0xffff;
	v9 =	vshll.u32 v9, $0x7  }
0x68: {  	v9 =	vor.u32 v4, v9;
	_ =	sdelay $0x1  }
0x69: {  	v15 =	vshll.u32 v13, $0x7  }
0x6a: {  	v15 =	vor.u32 v0, v15;
	v13 =	vld.idx.msk [tilespmem:v13+s20+$0x0], $0xffff;
	v14 =	vshll.u32 v10, $0x7  }
0x6b: {  	v14 =	vor.u32 v0, v14;
	v10 =	vld.idx.msk [tilespmem:v10+s20+$0x0], $0xffff  }
0x6c: {  	[tilespmem:v9+s15+$0x0] =	vst.idx.add.f32.msk $0xffff, v12;
	v9 =	vshll.u32 v11, $0x7  }
0x6d: {  	v11 =	vld.idx.msk [tilespmem:v11+s20+$0x0], $0xffff;
	v9 =	vor.u32 v0, v9;
	_ =	sdelay $0x1  }
0x6e: {  	[tilespmem:v15+s15+$0x0] =	vst.idx.add.f32.msk $0xffff, v13  }
0x6f: {  	[tilespmem:v14+s15+$0x0] =	vst.idx.add.f32.msk $0xffff, v10  }
0x70: {  	v10 =	vld [tilespmem:s21+$0x90]  }
0x71: {  	[tilespmem:v9+s15+$0x0] =	vst.idx.add.f32.msk $0xffff, v11  }
0x72: {  	v11 =	vld [tilespmem:s21+$0x190]  }
0x73: {  	v9 =	vld [tilespmem:s21+$0x110]  }
0x74: {  	v12 =	vld [tilespmem:s21+$0x40];
	_ =	sdelay $0x2  }
0x75: {  	v33 =	vshll.u32 v10, $0x7  }
0x76: {  	v13 =	vor.u32 v2, v33;
	v10 =	vld.idx.msk [tilespmem:v10+s20+$0x0], $0xffff  }
0x77: {  	v16 =	vshll.u32 v11, $0x7  }
0x78: {  	v34 =	vshll.u32 v9, $0x7;
	v16 =	vor.u32 v2, v16;
	v11 =	vld.idx.msk [tilespmem:v11+s20+$0x0], $0xffff  }
0x79: {  	v14 =	vor.u32 v2, v34;
	v9 =	vld.idx.msk [tilespmem:v9+s20+$0x0], $0xffff  }
0x7a: {  	v35 =	vld.idx.msk [tilespmem:v12+s20+$0x0], $0xffff  }
0x7b: {  	[tilespmem:v13+s15+$0x0] =	vst.idx.add.f32.msk $0xffff, v10  }
0x7c: {  	v10 =	vld [tilespmem:s21+$0xA0]  }
0x7d: {  	[tilespmem:v16+s15+$0x0] =	vst.idx.add.f32.msk $0xffff, v11  }
0x7e: {  	[tilespmem:v14+s15+$0x0] =	vst.idx.add.f32.msk $0xffff, v9  }
0x7f: {  	v36 =	vld [tilespmem:s21+$0x1A0]  }
0x80: {  	v12 =	vshll.u32 v12, $0x7;
	v9 =	vld [tilespmem:s21+$0x120]  }
0x81: {  	v11 =	vor.u32 v5, v12;
	_ =	sdelay $0x2  }
0x82: {  	v37 =	vshll.u32 v10, $0x7  }
0x83: {  	v13 =	vor.u32 v3, v37;
	v10 =	vld.idx.msk [tilespmem:v10+s20+$0x0], $0xffff  }
0x84: {  	[tilespmem:v11+s15+$0x0] =	vst.idx.add.f32.msk $0xffff, v35;
	v39 =	vshll.u32 v36, $0x7  }
0x85: {  	v11 =	vshll.u32 v9, $0x7;
	v15 =	vor.u32 v3, v39;
	v12 =	vld.idx.msk [tilespmem:v36+s20+$0x0], $0xffff  }
0x86: {  	v11 =	vor.u32 v3, v11;
	v9 =	vld.idx.msk [tilespmem:v9+s20+$0x0], $0xffff;
	_ =	sdelay $0x1  }
0x87: {  	[tilespmem:v13+s15+$0x0] =	vst.idx.add.f32.msk $0xffff, v10  }
0x88: {  	v10 =	vld [tilespmem:s21+$0xB0]  }
0x89: {  	[tilespmem:v15+s15+$0x0] =	vst.idx.add.f32.msk $0xffff, v12  }
0x8a: {  	[tilespmem:v11+s15+$0x0] =	vst.idx.add.f32.msk $0xffff, v9  }
0x8b: {  	v11 =	vld [tilespmem:s21+$0x1B0]  }
0x8c: {  	v9 =	vld [tilespmem:s21+$0x130];
	_ =	sdelay $0x3  }
0x8d: {  	v40 =	vshll.u32 v10, $0x7  }
0x8e: {  	v12 =	vor.u32 v4, v40;
	v10 =	vld.idx.msk [tilespmem:v10+s20+$0x0], $0xffff  }
0x8f: {  	v38 =	vld [tilespmem:s21+$0x50];
	v43 =	vshll.u32 v11, $0x7  }
0x90: {  	v41 =	vshll.u32 v9, $0x7;
	v16 =	vor.u32 v4, v43;
	v11 =	vld.idx.msk [tilespmem:v11+s20+$0x0], $0xffff  }
0x91: {  	v13 =	vor.u32 v4, v41;
	v9 =	vld.idx.msk [tilespmem:v9+s20+$0x0], $0xffff;
	_ =	sdelay $0x1  }
0x92: {  	[tilespmem:v12+s15+$0x0] =	vst.idx.add.f32.msk $0xffff, v10  }
0x93: {  	v10 =	vld [tilespmem:s21+$0xC0]  }
0x94: {  	[tilespmem:v16+s15+$0x0] =	vst.idx.add.f32.msk $0xffff, v11  }
0x95: {  	[tilespmem:v13+s15+$0x0] =	vst.idx.add.f32.msk $0xffff, v9  }
0x96: {  	v45 =	vld [tilespmem:s21+$0x1C0]  }
0x97: {  	v44 =	vshll.u32 v38, $0x7;
	v9 =	vld [tilespmem:s21+$0x140]  }
0x98: {  	v42 =	vld.idx.msk [tilespmem:v38+s20+$0x0], $0xffff;
	v11 =	vor.u32 v6, v44;
	_ =	sdelay $0x2  }
0x99: {  	v46 =	vshll.u32 v10, $0x7  }
0x9a: {  	v13 =	vor.u32 v5, v46;
	v10 =	vld.idx.msk [tilespmem:v10+s20+$0x0], $0xffff  }
0x9b: {  	[tilespmem:v11+s15+$0x0] =	vst.idx.add.f32.msk $0xffff, v42;
	v48 =	vshll.u32 v45, $0x7  }
0x9c: {  	v11 =	vshll.u32 v9, $0x7;
	v15 =	vor.u32 v5, v48;
	v12 =	vld.idx.msk [tilespmem:v45+s20+$0x0], $0xffff  }
0x9d: {  	v11 =	vor.u32 v5, v11;
	v9 =	vld.idx.msk [tilespmem:v9+s20+$0x0], $0xffff;
	_ =	sdelay $0x1  }
0x9e: {  	[tilespmem:v13+s15+$0x0] =	vst.idx.add.f32.msk $0xffff, v10  }
0x9f: {  	v10 =	vld [tilespmem:s21+$0xD0]  }
0xa0: {  	[tilespmem:v15+s15+$0x0] =	vst.idx.add.f32.msk $0xffff, v12  }
0xa1: {  	[tilespmem:v11+s15+$0x0] =	vst.idx.add.f32.msk $0xffff, v9  }
0xa2: {  	v11 =	vld [tilespmem:s21+$0x1D0]  }
0xa3: {  	v9 =	vld [tilespmem:s21+$0x150];
	_ =	sdelay $0x3  }
0xa4: {  	v49 =	vshll.u32 v10, $0x7  }
0xa5: {  	v12 =	vor.u32 v6, v49;
	v10 =	vld.idx.msk [tilespmem:v10+s20+$0x0], $0xffff  }
0xa6: {  	v47 =	vld [tilespmem:s21+$0x60];
	v52 =	vshll.u32 v11, $0x7  }
0xa7: {  	v50 =	vshll.u32 v9, $0x7;
	v16 =	vor.u32 v6, v52;
	v11 =	vld.idx.msk [tilespmem:v11+s20+$0x0], $0xffff  }
0xa8: {  	v13 =	vor.u32 v6, v50;
	v9 =	vld.idx.msk [tilespmem:v9+s20+$0x0], $0xffff;
	_ =	sdelay $0x1  }
0xa9: {  	[tilespmem:v12+s15+$0x0] =	vst.idx.add.f32.msk $0xffff, v10  }
0xaa: {  	v10 =	vld [tilespmem:s21+$0xE0]  }
0xab: {  	[tilespmem:v16+s15+$0x0] =	vst.idx.add.f32.msk $0xffff, v11  }
0xac: {  	[tilespmem:v13+s15+$0x0] =	vst.idx.add.f32.msk $0xffff, v9  }
0xad: {  	v54 =	vld [tilespmem:s21+$0x1E0]  }
0xae: {  	v53 =	vshll.u32 v47, $0x7;
	v9 =	vld [tilespmem:s21+$0x160]  }
0xaf: {  	v51 =	vld.idx.msk [tilespmem:v47+s20+$0x0], $0xffff;
	v11 =	vor.u32 v7, v53;
	_ =	sdelay $0x2  }
0xb0: {  	v55 =	vshll.u32 v10, $0x7  }
0xb1: {  	v13 =	vor.u32 v7, v55;
	v10 =	vld.idx.msk [tilespmem:v10+s20+$0x0], $0xffff  }
0xb2: {  	[tilespmem:v11+s15+$0x0] =	vst.idx.add.f32.msk $0xffff, v51;
	v57 =	vshll.u32 v54, $0x7  }
0xb3: {  	v11 =	vshll.u32 v9, $0x7;
	v15 =	vor.u32 v7, v57;
	v12 =	vld.idx.msk [tilespmem:v54+s20+$0x0], $0xffff  }
0xb4: {  	v11 =	vor.u32 v7, v11;
	v9 =	vld.idx.msk [tilespmem:v9+s20+$0x0], $0xffff  }
0xb5: {  	v56 =	vld [tilespmem:s21+$0x70]  }
0xb6: {  	[tilespmem:v13+s15+$0x0] =	vst.idx.add.f32.msk $0xffff, v10  }
0xb7: {  	v10 =	vld [tilespmem:s21+$0xF0]  }
0xb8: {  	[tilespmem:v15+s15+$0x0] =	vst.idx.add.f32.msk $0xffff, v12  }
0xb9: {  	[tilespmem:v11+s15+$0x0] =	vst.idx.add.f32.msk $0xffff, v9  }
0xba: {  	v11 =	vld [tilespmem:s21+$0x1F0]  }
0xbb: {  	v9 =	vld [tilespmem:s21+$0x170];
	_ =	sdelay $0x3  }
0xbc: {  	v58 =	vshll.u32 v56, $0x7  }
0xbd: {  	v60 =	vshll.u32 v10, $0x7;
	v59 =	vld.idx.msk [tilespmem:v56+s20+$0x0], $0xffff;
	v12 =	vor.u32 v8, v58  }
0xbe: {  	v14 =	vor.u32 v8, v60;
	v10 =	vld.idx.msk [tilespmem:v10+s20+$0x0], $0xffff;
	v62 =	vshll.u32 v11, $0x7  }
0xbf: {  	v61 =	vshll.u32 v9, $0x7;
	v16 =	vor.u32 v8, v62;
	v11 =	vld.idx.msk [tilespmem:v11+s20+$0x0], $0xffff  }
0xc0: {  	p1 =	por p0, p0;
	v15 =	vor.u32 v8, v61;
	v9 =	vld.idx.msk [tilespmem:v9+s20+$0x0], $0xffff  }
.Ltmp1:
0xc1: {  	_ = 	snop;
	(pc) =	sbr.rel @p1 .LBB2_5-.Ltmp1, $4  }
0xc2: {  	[tilespmem:v12+s15+$0x0] =	vst.idx.add.f32.msk $0xffff, v59  }
0xc3: {  	[tilespmem:v14+s15+$0x0] =	vst.idx.add.f32.msk $0xffff, v10  }
0xc4: {  	[tilespmem:v16+s15+$0x0] =	vst.idx.add.f32.msk $0xffff, v11  }
0xc5: {  	p0 =	por $0x0, $0x0;
	[tilespmem:v15+s15+$0x0] =	vst.idx.add.f32.msk $0xffff, v9  }
0xc6: {  	s20 =	sshll.u32 s19, $0x10  }
0xc7: {  	s21 =	sadd.s32 s7, s20  }
0xc8: {  	s21 =	sshrl.u32 s21, $0x3  }
0xc9: {  	s22 =	sadd.s32 s1, s21;
	s21 =	simm.s32 $0x0  }
0xca: {  	[tilespmem:s21], [sflag:$0x1] =	stream.linear.gather [hbm4b:s22+s21], $0x400, $0x38;
	v63 =	vld [tilespmem:$0x0]  }
0xcb: {  	_ =	swait.ge [sflag:s16], $0x400  }
0xcc: {  	[sflag:s16] =	ssyncset.done $0x0  }
0xcd: {  	p0 =	por $0x1, $0x1;
	[sflag:s16] =	ssyncadd.s32 $0xFFFFFC00  }
.LBB2_7:
0xce: {  	s22 =	sshra.s32 s21, $0x2  }
0xcf: {  	v9 =	vld [tilespmem:s22+$0x400];
	_ =	sdelay $0x6  }
0xd0: {  	s21 =	simm.s32 $0x800;
	v10 =	vshll.u32 v9, $0x7  }
0xd1: {  	v10 =	vor.u32 v0, v10;
	v9 =	vld.idx.msk [tilespmem:v9+s21+$0x0], $0xffff;
	_ =	sdelay $0x4  }
0xd2: {  	[tilespmem:v10+s15+$0x0] =	vst.idx.add.f32.msk $0xffff, v9  }
0xd3: {  	v9 =	vld [tilespmem:s22+$0x410];
	_ =	sdelay $0x6  }
0xd4: {  	v10 =	vshll.u32 v9, $0x7  }
0xd5: {  	v10 =	vor.u32 v2, v10;
	v9 =	vld.idx.msk [tilespmem:v9+s21+$0x0], $0xffff;
	_ =	sdelay $0x4  }
0xd6: {  	[tilespmem:v10+s15+$0x0] =	vst.idx.add.f32.msk $0xffff, v9  }
0xd7: {  	v9 =	vld [tilespmem:s22+$0x420];
	_ =	sdelay $0x6  }
0xd8: {  	v10 =	vshll.u32 v9, $0x7  }
0xd9: {  	v10 =	vor.u32 v3, v10;
	v9 =	vld.idx.msk [tilespmem:v9+s21+$0x0], $0xffff;
	_ =	sdelay $0x4  }
0xda: {  	[tilespmem:v10+s15+$0x0] =	vst.idx.add.f32.msk $0xffff, v9  }
0xdb: {  	v9 =	vld [tilespmem:s22+$0x430];
	_ =	sdelay $0x3  }
0xdc: {  	v13 =	vld [tilespmem:s22+$0x580]  }
0xdd: {  	v10 =	vld [tilespmem:s22+$0x480];
	_ =	sdelay $0x1  }
0xde: {  	v11 =	vld [tilespmem:s22+$0x500]  }
0xdf: {  	v12 =	vld.idx.msk [tilespmem:v9+s21+$0x0], $0xffff;
	v9 =	vshll.u32 v9, $0x7  }
0xe0: {  	v9 =	vor.u32 v4, v9;
	_ =	sdelay $0x1  }
0xe1: {  	v15 =	vshll.u32 v13, $0x7  }
0xe2: {  	v15 =	vor.u32 v0, v15;
	v13 =	vld.idx.msk [tilespmem:v13+s21+$0x0], $0xffff;
	v14 =	vshll.u32 v10, $0x7  }
0xe3: {  	v14 =	vor.u32 v0, v14;
	v10 =	vld.idx.msk [tilespmem:v10+s21+$0x0], $0xffff  }
0xe4: {  	[tilespmem:v9+s15+$0x0] =	vst.idx.add.f32.msk $0xffff, v12;
	v9 =	vshll.u32 v11, $0x7  }
0xe5: {  	v11 =	vld.idx.msk [tilespmem:v11+s21+$0x0], $0xffff;
	v9 =	vor.u32 v0, v9;
	_ =	sdelay $0x1  }
0xe6: {  	[tilespmem:v15+s15+$0x0] =	vst.idx.add.f32.msk $0xffff, v13  }
0xe7: {  	[tilespmem:v14+s15+$0x0] =	vst.idx.add.f32.msk $0xffff, v10  }
0xe8: {  	v10 =	vld [tilespmem:s22+$0x490]  }
0xe9: {  	[tilespmem:v9+s15+$0x0] =	vst.idx.add.f32.msk $0xffff, v11  }
0xea: {  	v11 =	vld [tilespmem:s22+$0x590]  }
0xeb: {  	v9 =	vld [tilespmem:s22+$0x510]  }
0xec: {  	v12 =	vld [tilespmem:s22+$0x440];
	_ =	sdelay $0x2  }
0xed: {  	v33 =	vshll.u32 v10, $0x7  }
0xee: {  	v13 =	vor.u32 v2, v33;
	v10 =	vld.idx.msk [tilespmem:v10+s21+$0x0], $0xffff  }
0xef: {  	v16 =	vshll.u32 v11, $0x7  }
0xf0: {  	v34 =	vshll.u32 v9, $0x7;
	v16 =	vor.u32 v2, v16;
	v11 =	vld.idx.msk [tilespmem:v11+s21+$0x0], $0xffff  }
0xf1: {  	v14 =	vor.u32 v2, v34;
	v9 =	vld.idx.msk [tilespmem:v9+s21+$0x0], $0xffff  }
0xf2: {  	v35 =	vld.idx.msk [tilespmem:v12+s21+$0x0], $0xffff  }
0xf3: {  	[tilespmem:v13+s15+$0x0] =	vst.idx.add.f32.msk $0xffff, v10  }
0xf4: {  	v10 =	vld [tilespmem:s22+$0x4A0]  }
0xf5: {  	[tilespmem:v16+s15+$0x0] =	vst.idx.add.f32.msk $0xffff, v11  }
0xf6: {  	[tilespmem:v14+s15+$0x0] =	vst.idx.add.f32.msk $0xffff, v9  }
0xf7: {  	v36 =	vld [tilespmem:s22+$0x5A0]  }
0xf8: {  	v12 =	vshll.u32 v12, $0x7;
	v9 =	vld [tilespmem:s22+$0x520]  }
0xf9: {  	v11 =	vor.u32 v5, v12;
	_ =	sdelay $0x2  }
0xfa: {  	v37 =	vshll.u32 v10, $0x7  }
0xfb: {  	v13 =	vor.u32 v3, v37;
	v10 =	vld.idx.msk [tilespmem:v10+s21+$0x0], $0xffff  }
0xfc: {  	[tilespmem:v11+s15+$0x0] =	vst.idx.add.f32.msk $0xffff, v35;
	v39 =	vshll.u32 v36, $0x7  }
0xfd: {  	v11 =	vshll.u32 v9, $0x7;
	v15 =	vor.u32 v3, v39;
	v12 =	vld.idx.msk [tilespmem:v36+s21+$0x0], $0xffff  }
0xfe: {  	v11 =	vor.u32 v3, v11;
	v9 =	vld.idx.msk [tilespmem:v9+s21+$0x0], $0xffff;
	_ =	sdelay $0x1  }
0xff: {  	[tilespmem:v13+s15+$0x0] =	vst.idx.add.f32.msk $0xffff, v10  }
0x100: {  	v10 =	vld [tilespmem:s22+$0x4B0]  }
0x101: {  	[tilespmem:v15+s15+$0x0] =	vst.idx.add.f32.msk $0xffff, v12  }
0x102: {  	[tilespmem:v11+s15+$0x0] =	vst.idx.add.f32.msk $0xffff, v9  }
0x103: {  	v11 =	vld [tilespmem:s22+$0x5B0]  }
0x104: {  	v9 =	vld [tilespmem:s22+$0x530];
	_ =	sdelay $0x3  }
0x105: {  	v40 =	vshll.u32 v10, $0x7  }
0x106: {  	v12 =	vor.u32 v4, v40;
	v10 =	vld.idx.msk [tilespmem:v10+s21+$0x0], $0xffff  }
0x107: {  	v38 =	vld [tilespmem:s22+$0x450];
	v43 =	vshll.u32 v11, $0x7  }
0x108: {  	v41 =	vshll.u32 v9, $0x7;
	v16 =	vor.u32 v4, v43;
	v11 =	vld.idx.msk [tilespmem:v11+s21+$0x0], $0xffff  }
0x109: {  	v13 =	vor.u32 v4, v41;
	v9 =	vld.idx.msk [tilespmem:v9+s21+$0x0], $0xffff;
	_ =	sdelay $0x1  }
0x10a: {  	[tilespmem:v12+s15+$0x0] =	vst.idx.add.f32.msk $0xffff, v10  }
0x10b: {  	v10 =	vld [tilespmem:s22+$0x4C0]  }
0x10c: {  	[tilespmem:v16+s15+$0x0] =	vst.idx.add.f32.msk $0xffff, v11  }
0x10d: {  	[tilespmem:v13+s15+$0x0] =	vst.idx.add.f32.msk $0xffff, v9  }
0x10e: {  	v45 =	vld [tilespmem:s22+$0x5C0]  }
0x10f: {  	v44 =	vshll.u32 v38, $0x7;
	v9 =	vld [tilespmem:s22+$0x540]  }
0x110: {  	v42 =	vld.idx.msk [tilespmem:v38+s21+$0x0], $0xffff;
	v11 =	vor.u32 v6, v44;
	_ =	sdelay $0x2  }
0x111: {  	v46 =	vshll.u32 v10, $0x7  }
0x112: {  	v13 =	vor.u32 v5, v46;
	v10 =	vld.idx.msk [tilespmem:v10+s21+$0x0], $0xffff  }
0x113: {  	[tilespmem:v11+s15+$0x0] =	vst.idx.add.f32.msk $0xffff, v42;
	v48 =	vshll.u32 v45, $0x7  }
0x114: {  	v11 =	vshll.u32 v9, $0x7;
	v15 =	vor.u32 v5, v48;
	v12 =	vld.idx.msk [tilespmem:v45+s21+$0x0], $0xffff  }
0x115: {  	v11 =	vor.u32 v5, v11;
	v9 =	vld.idx.msk [tilespmem:v9+s21+$0x0], $0xffff;
	_ =	sdelay $0x1  }
0x116: {  	[tilespmem:v13+s15+$0x0] =	vst.idx.add.f32.msk $0xffff, v10  }
0x117: {  	v10 =	vld [tilespmem:s22+$0x4D0]  }
0x118: {  	[tilespmem:v15+s15+$0x0] =	vst.idx.add.f32.msk $0xffff, v12  }
0x119: {  	[tilespmem:v11+s15+$0x0] =	vst.idx.add.f32.msk $0xffff, v9  }
0x11a: {  	v11 =	vld [tilespmem:s22+$0x5D0]  }
0x11b: {  	v9 =	vld [tilespmem:s22+$0x550];
	_ =	sdelay $0x3  }
0x11c: {  	v49 =	vshll.u32 v10, $0x7  }
0x11d: {  	v12 =	vor.u32 v6, v49;
	v10 =	vld.idx.msk [tilespmem:v10+s21+$0x0], $0xffff  }
0x11e: {  	v47 =	vld [tilespmem:s22+$0x460];
	v52 =	vshll.u32 v11, $0x7  }
0x11f: {  	v50 =	vshll.u32 v9, $0x7;
	v16 =	vor.u32 v6, v52;
	v11 =	vld.idx.msk [tilespmem:v11+s21+$0x0], $0xffff  }
0x120: {  	v13 =	vor.u32 v6, v50;
	v9 =	vld.idx.msk [tilespmem:v9+s21+$0x0], $0xffff;
	_ =	sdelay $0x1  }
0x121: {  	[tilespmem:v12+s15+$0x0] =	vst.idx.add.f32.msk $0xffff, v10  }
0x122: {  	v10 =	vld [tilespmem:s22+$0x4E0]  }
0x123: {  	[tilespmem:v16+s15+$0x0] =	vst.idx.add.f32.msk $0xffff, v11  }
0x124: {  	[tilespmem:v13+s15+$0x0] =	vst.idx.add.f32.msk $0xffff, v9  }
0x125: {  	v54 =	vld [tilespmem:s22+$0x5E0]  }
0x126: {  	v53 =	vshll.u32 v47, $0x7;
	v9 =	vld [tilespmem:s22+$0x560]  }
0x127: {  	v51 =	vld.idx.msk [tilespmem:v47+s21+$0x0], $0xffff;
	v11 =	vor.u32 v7, v53;
	_ =	sdelay $0x2  }
0x128: {  	v55 =	vshll.u32 v10, $0x7  }
0x129: {  	v13 =	vor.u32 v7, v55;
	v10 =	vld.idx.msk [tilespmem:v10+s21+$0x0], $0xffff  }
0x12a: {  	[tilespmem:v11+s15+$0x0] =	vst.idx.add.f32.msk $0xffff, v51;
	v57 =	vshll.u32 v54, $0x7  }
0x12b: {  	v11 =	vshll.u32 v9, $0x7;
	v15 =	vor.u32 v7, v57;
	v12 =	vld.idx.msk [tilespmem:v54+s21+$0x0], $0xffff  }
0x12c: {  	v11 =	vor.u32 v7, v11;
	v9 =	vld.idx.msk [tilespmem:v9+s21+$0x0], $0xffff  }
0x12d: {  	v56 =	vld [tilespmem:s22+$0x470]  }
0x12e: {  	[tilespmem:v13+s15+$0x0] =	vst.idx.add.f32.msk $0xffff, v10  }
0x12f: {  	v10 =	vld [tilespmem:s22+$0x4F0]  }
0x130: {  	[tilespmem:v15+s15+$0x0] =	vst.idx.add.f32.msk $0xffff, v12  }
0x131: {  	[tilespmem:v11+s15+$0x0] =	vst.idx.add.f32.msk $0xffff, v9  }
0x132: {  	v11 =	vld [tilespmem:s22+$0x5F0]  }
0x133: {  	v9 =	vld [tilespmem:s22+$0x570];
	_ =	sdelay $0x3  }
0x134: {  	v58 =	vshll.u32 v56, $0x7  }
0x135: {  	v60 =	vshll.u32 v10, $0x7;
	v59 =	vld.idx.msk [tilespmem:v56+s21+$0x0], $0xffff;
	v12 =	vor.u32 v8, v58  }
0x136: {  	v14 =	vor.u32 v8, v60;
	v10 =	vld.idx.msk [tilespmem:v10+s21+$0x0], $0xffff;
	v62 =	vshll.u32 v11, $0x7  }
0x137: {  	v61 =	vshll.u32 v9, $0x7;
	v16 =	vor.u32 v8, v62;
	v11 =	vld.idx.msk [tilespmem:v11+s21+$0x0], $0xffff  }
0x138: {  	p1 =	por p0, p0;
	v15 =	vor.u32 v8, v61;
	v9 =	vld.idx.msk [tilespmem:v9+s21+$0x0], $0xffff  }
.Ltmp2:
0x139: {  	_ = 	snop;
	(pc) =	sbr.rel @p1 .LBB2_7-.Ltmp2, $4  }
0x13a: {  	[tilespmem:v12+s15+$0x0] =	vst.idx.add.f32.msk $0xffff, v59  }
0x13b: {  	[tilespmem:v14+s15+$0x0] =	vst.idx.add.f32.msk $0xffff, v10  }
0x13c: {  	[tilespmem:v16+s15+$0x0] =	vst.idx.add.f32.msk $0xffff, v11  }
0x13d: {  	p0 =	por $0x0, $0x0;
	[tilespmem:v15+s15+$0x0] =	vst.idx.add.f32.msk $0xffff, v9  }
0x13e: {  	p0 =	seq.s32 s19, $0xB  }
.Ltmp3:
0x13f: {  	_ = 	snop;
	(pc) =	sbr.rel @p0 .LBB2_10-.Ltmp3, $1  }
0x140: {  	_ =	sdelay $0x3  }
.Ltmp4:
0x141: {  	(pc) =	sbr.rel .LBB2_4-.Ltmp4, $4  }
0x142: {  	s20 =	sadd.s32 s8, s20  }
0x143: {  	s20 =	sshrl.u32 s20, $0x3  }
0x144: {  	s19 =	sadd.s32 $0x1, s19;
	s20 =	sadd.s32 s1, s20  }
0x145: {  	[tilespmem:s13], [sflag:$0x2] =	stream.linear.gather [hbm4b:s20+s4], $0x400, $0x38;
	v63 =	vld [tilespmem:$0x0]  }
.LBB2_10:
0x146: {  	_ =	swait.ge [sflag:s14], $0x400  }
0x147: {  	[sflag:s14] =	ssyncset.done $0x0  }
0x148: {  	s19 =	simm.s32 $0x0;
	p0 =	por $0x1, $0x1;
	[sflag:s14] =	ssyncadd.s32 $0xFFFFFC00  }
.LBB2_11:
0x149: {  	s20 =	sshra.s32 s19, $0x2  }
0x14a: {  	v9 =	vld [tilespmem:s20+$0x0];
	_ =	sdelay $0x6  }
0x14b: {  	s19 =	simm.s32 $0x800;
	v10 =	vshll.u32 v9, $0x7  }
0x14c: {  	v10 =	vor.u32 v0, v10;
	v9 =	vld.idx.msk [tilespmem:v9+s19+$0x0], $0xffff;
	_ =	sdelay $0x4  }
0x14d: {  	[tilespmem:v10+s15+$0x0] =	vst.idx.add.f32.msk $0xffff, v9  }
0x14e: {  	v9 =	vld [tilespmem:s20+$0x10];
	_ =	sdelay $0x6  }
0x14f: {  	v10 =	vshll.u32 v9, $0x7  }
0x150: {  	v10 =	vor.u32 v2, v10;
	v9 =	vld.idx.msk [tilespmem:v9+s19+$0x0], $0xffff;
	_ =	sdelay $0x4  }
0x151: {  	[tilespmem:v10+s15+$0x0] =	vst.idx.add.f32.msk $0xffff, v9  }
0x152: {  	v9 =	vld [tilespmem:s20+$0x20];
	_ =	sdelay $0x6  }
0x153: {  	v10 =	vshll.u32 v9, $0x7  }
0x154: {  	v10 =	vor.u32 v3, v10;
	v9 =	vld.idx.msk [tilespmem:v9+s19+$0x0], $0xffff;
	_ =	sdelay $0x4  }
0x155: {  	[tilespmem:v10+s15+$0x0] =	vst.idx.add.f32.msk $0xffff, v9  }
0x156: {  	v9 =	vld [tilespmem:s20+$0x30];
	_ =	sdelay $0x3  }
0x157: {  	v13 =	vld [tilespmem:s20+$0x180]  }
0x158: {  	v10 =	vld [tilespmem:s20+$0x80];
	_ =	sdelay $0x1  }
0x159: {  	v11 =	vld [tilespmem:s20+$0x100]  }
0x15a: {  	v12 =	vld.idx.msk [tilespmem:v9+s19+$0x0], $0xffff;
	v9 =	vshll.u32 v9, $0x7  }
0x15b: {  	v9 =	vor.u32 v4, v9;
	_ =	sdelay $0x1  }
0x15c: {  	v15 =	vshll.u32 v13, $0x7  }
0x15d: {  	v15 =	vor.u32 v0, v15;
	v13 =	vld.idx.msk [tilespmem:v13+s19+$0x0], $0xffff;
	v14 =	vshll.u32 v10, $0x7  }
0x15e: {  	v14 =	vor.u32 v0, v14;
	v10 =	vld.idx.msk [tilespmem:v10+s19+$0x0], $0xffff  }
0x15f: {  	[tilespmem:v9+s15+$0x0] =	vst.idx.add.f32.msk $0xffff, v12;
	v9 =	vshll.u32 v11, $0x7  }
0x160: {  	v11 =	vld.idx.msk [tilespmem:v11+s19+$0x0], $0xffff;
	v9 =	vor.u32 v0, v9;
	_ =	sdelay $0x1  }
0x161: {  	[tilespmem:v15+s15+$0x0] =	vst.idx.add.f32.msk $0xffff, v13  }
0x162: {  	[tilespmem:v14+s15+$0x0] =	vst.idx.add.f32.msk $0xffff, v10  }
0x163: {  	v10 =	vld [tilespmem:s20+$0x90]  }
0x164: {  	[tilespmem:v9+s15+$0x0] =	vst.idx.add.f32.msk $0xffff, v11  }
0x165: {  	v11 =	vld [tilespmem:s20+$0x190]  }
0x166: {  	v9 =	vld [tilespmem:s20+$0x110]  }
0x167: {  	v12 =	vld [tilespmem:s20+$0x40];
	_ =	sdelay $0x2  }
0x168: {  	v33 =	vshll.u32 v10, $0x7  }
0x169: {  	v13 =	vor.u32 v2, v33;
	v10 =	vld.idx.msk [tilespmem:v10+s19+$0x0], $0xffff  }
0x16a: {  	v16 =	vshll.u32 v11, $0x7  }
0x16b: {  	v34 =	vshll.u32 v9, $0x7;
	v16 =	vor.u32 v2, v16;
	v11 =	vld.idx.msk [tilespmem:v11+s19+$0x0], $0xffff  }
0x16c: {  	v14 =	vor.u32 v2, v34;
	v9 =	vld.idx.msk [tilespmem:v9+s19+$0x0], $0xffff  }
0x16d: {  	v35 =	vld.idx.msk [tilespmem:v12+s19+$0x0], $0xffff  }
0x16e: {  	[tilespmem:v13+s15+$0x0] =	vst.idx.add.f32.msk $0xffff, v10  }
0x16f: {  	v10 =	vld [tilespmem:s20+$0xA0]  }
0x170: {  	[tilespmem:v16+s15+$0x0] =	vst.idx.add.f32.msk $0xffff, v11  }
0x171: {  	[tilespmem:v14+s15+$0x0] =	vst.idx.add.f32.msk $0xffff, v9  }
0x172: {  	v36 =	vld [tilespmem:s20+$0x1A0]  }
0x173: {  	v12 =	vshll.u32 v12, $0x7;
	v9 =	vld [tilespmem:s20+$0x120]  }
0x174: {  	v11 =	vor.u32 v5, v12;
	_ =	sdelay $0x2  }
0x175: {  	v37 =	vshll.u32 v10, $0x7  }
0x176: {  	v13 =	vor.u32 v3, v37;
	v10 =	vld.idx.msk [tilespmem:v10+s19+$0x0], $0xffff  }
0x177: {  	[tilespmem:v11+s15+$0x0] =	vst.idx.add.f32.msk $0xffff, v35;
	v39 =	vshll.u32 v36, $0x7  }
0x178: {  	v11 =	vshll.u32 v9, $0x7;
	v15 =	vor.u32 v3, v39;
	v12 =	vld.idx.msk [tilespmem:v36+s19+$0x0], $0xffff  }
0x179: {  	v11 =	vor.u32 v3, v11;
	v9 =	vld.idx.msk [tilespmem:v9+s19+$0x0], $0xffff;
	_ =	sdelay $0x1  }
0x17a: {  	[tilespmem:v13+s15+$0x0] =	vst.idx.add.f32.msk $0xffff, v10  }
0x17b: {  	v10 =	vld [tilespmem:s20+$0xB0]  }
0x17c: {  	[tilespmem:v15+s15+$0x0] =	vst.idx.add.f32.msk $0xffff, v12  }
0x17d: {  	[tilespmem:v11+s15+$0x0] =	vst.idx.add.f32.msk $0xffff, v9  }
0x17e: {  	v11 =	vld [tilespmem:s20+$0x1B0]  }
0x17f: {  	v9 =	vld [tilespmem:s20+$0x130];
	_ =	sdelay $0x3  }
0x180: {  	v40 =	vshll.u32 v10, $0x7  }
0x181: {  	v12 =	vor.u32 v4, v40;
	v10 =	vld.idx.msk [tilespmem:v10+s19+$0x0], $0xffff  }
0x182: {  	v38 =	vld [tilespmem:s20+$0x50];
	v43 =	vshll.u32 v11, $0x7  }
0x183: {  	v41 =	vshll.u32 v9, $0x7;
	v16 =	vor.u32 v4, v43;
	v11 =	vld.idx.msk [tilespmem:v11+s19+$0x0], $0xffff  }
0x184: {  	v13 =	vor.u32 v4, v41;
	v9 =	vld.idx.msk [tilespmem:v9+s19+$0x0], $0xffff;
	_ =	sdelay $0x1  }
0x185: {  	[tilespmem:v12+s15+$0x0] =	vst.idx.add.f32.msk $0xffff, v10  }
0x186: {  	v10 =	vld [tilespmem:s20+$0xC0]  }
0x187: {  	[tilespmem:v16+s15+$0x0] =	vst.idx.add.f32.msk $0xffff, v11  }
0x188: {  	[tilespmem:v13+s15+$0x0] =	vst.idx.add.f32.msk $0xffff, v9  }
0x189: {  	v45 =	vld [tilespmem:s20+$0x1C0]  }
0x18a: {  	v44 =	vshll.u32 v38, $0x7;
	v9 =	vld [tilespmem:s20+$0x140]  }
0x18b: {  	v42 =	vld.idx.msk [tilespmem:v38+s19+$0x0], $0xffff;
	v11 =	vor.u32 v6, v44;
	_ =	sdelay $0x2  }
0x18c: {  	v46 =	vshll.u32 v10, $0x7  }
0x18d: {  	v13 =	vor.u32 v5, v46;
	v10 =	vld.idx.msk [tilespmem:v10+s19+$0x0], $0xffff  }
0x18e: {  	[tilespmem:v11+s15+$0x0] =	vst.idx.add.f32.msk $0xffff, v42;
	v48 =	vshll.u32 v45, $0x7  }
0x18f: {  	v11 =	vshll.u32 v9, $0x7;
	v15 =	vor.u32 v5, v48;
	v12 =	vld.idx.msk [tilespmem:v45+s19+$0x0], $0xffff  }
0x190: {  	v11 =	vor.u32 v5, v11;
	v9 =	vld.idx.msk [tilespmem:v9+s19+$0x0], $0xffff;
	_ =	sdelay $0x1  }
0x191: {  	[tilespmem:v13+s15+$0x0] =	vst.idx.add.f32.msk $0xffff, v10  }
0x192: {  	v10 =	vld [tilespmem:s20+$0xD0]  }
0x193: {  	[tilespmem:v15+s15+$0x0] =	vst.idx.add.f32.msk $0xffff, v12  }
0x194: {  	[tilespmem:v11+s15+$0x0] =	vst.idx.add.f32.msk $0xffff, v9  }
0x195: {  	v11 =	vld [tilespmem:s20+$0x1D0]  }
0x196: {  	v9 =	vld [tilespmem:s20+$0x150];
	_ =	sdelay $0x3  }
0x197: {  	v49 =	vshll.u32 v10, $0x7  }
0x198: {  	v12 =	vor.u32 v6, v49;
	v10 =	vld.idx.msk [tilespmem:v10+s19+$0x0], $0xffff  }
0x199: {  	v47 =	vld [tilespmem:s20+$0x60];
	v52 =	vshll.u32 v11, $0x7  }
0x19a: {  	v50 =	vshll.u32 v9, $0x7;
	v16 =	vor.u32 v6, v52;
	v11 =	vld.idx.msk [tilespmem:v11+s19+$0x0], $0xffff  }
0x19b: {  	v13 =	vor.u32 v6, v50;
	v9 =	vld.idx.msk [tilespmem:v9+s19+$0x0], $0xffff;
	_ =	sdelay $0x1  }
0x19c: {  	[tilespmem:v12+s15+$0x0] =	vst.idx.add.f32.msk $0xffff, v10  }
0x19d: {  	v10 =	vld [tilespmem:s20+$0xE0]  }
0x19e: {  	[tilespmem:v16+s15+$0x0] =	vst.idx.add.f32.msk $0xffff, v11  }
0x19f: {  	[tilespmem:v13+s15+$0x0] =	vst.idx.add.f32.msk $0xffff, v9  }
0x1a0: {  	v54 =	vld [tilespmem:s20+$0x1E0]  }
0x1a1: {  	v53 =	vshll.u32 v47, $0x7;
	v9 =	vld [tilespmem:s20+$0x160]  }
0x1a2: {  	v51 =	vld.idx.msk [tilespmem:v47+s19+$0x0], $0xffff;
	v11 =	vor.u32 v7, v53;
	_ =	sdelay $0x2  }
0x1a3: {  	v55 =	vshll.u32 v10, $0x7  }
0x1a4: {  	v13 =	vor.u32 v7, v55;
	v10 =	vld.idx.msk [tilespmem:v10+s19+$0x0], $0xffff  }
0x1a5: {  	[tilespmem:v11+s15+$0x0] =	vst.idx.add.f32.msk $0xffff, v51;
	v57 =	vshll.u32 v54, $0x7  }
0x1a6: {  	v11 =	vshll.u32 v9, $0x7;
	v15 =	vor.u32 v7, v57;
	v12 =	vld.idx.msk [tilespmem:v54+s19+$0x0], $0xffff  }
0x1a7: {  	v11 =	vor.u32 v7, v11;
	v9 =	vld.idx.msk [tilespmem:v9+s19+$0x0], $0xffff  }
0x1a8: {  	v56 =	vld [tilespmem:s20+$0x70]  }
0x1a9: {  	[tilespmem:v13+s15+$0x0] =	vst.idx.add.f32.msk $0xffff, v10  }
0x1aa: {  	v10 =	vld [tilespmem:s20+$0xF0]  }
0x1ab: {  	[tilespmem:v15+s15+$0x0] =	vst.idx.add.f32.msk $0xffff, v12  }
0x1ac: {  	[tilespmem:v11+s15+$0x0] =	vst.idx.add.f32.msk $0xffff, v9  }
0x1ad: {  	v11 =	vld [tilespmem:s20+$0x1F0]  }
0x1ae: {  	v9 =	vld [tilespmem:s20+$0x170];
	_ =	sdelay $0x3  }
0x1af: {  	v58 =	vshll.u32 v56, $0x7  }
0x1b0: {  	v60 =	vshll.u32 v10, $0x7;
	v59 =	vld.idx.msk [tilespmem:v56+s19+$0x0], $0xffff;
	v12 =	vor.u32 v8, v58  }
0x1b1: {  	v14 =	vor.u32 v8, v60;
	v10 =	vld.idx.msk [tilespmem:v10+s19+$0x0], $0xffff;
	v62 =	vshll.u32 v11, $0x7  }
0x1b2: {  	v61 =	vshll.u32 v9, $0x7;
	v16 =	vor.u32 v8, v62;
	v11 =	vld.idx.msk [tilespmem:v11+s19+$0x0], $0xffff  }
0x1b3: {  	p1 =	por p0, p0;
	v15 =	vor.u32 v8, v61;
	v9 =	vld.idx.msk [tilespmem:v9+s19+$0x0], $0xffff  }
.Ltmp5:
0x1b4: {  	_ = 	snop;
	(pc) =	sbr.rel @p1 .LBB2_11-.Ltmp5, $4  }
0x1b5: {  	[tilespmem:v12+s15+$0x0] =	vst.idx.add.f32.msk $0xffff, v59  }
0x1b6: {  	[tilespmem:v14+s15+$0x0] =	vst.idx.add.f32.msk $0xffff, v10  }
0x1b7: {  	[tilespmem:v16+s15+$0x0] =	vst.idx.add.f32.msk $0xffff, v11  }
0x1b8: {  	p0 =	por $0x0, $0x0;
	[tilespmem:v15+s15+$0x0] =	vst.idx.add.f32.msk $0xffff, v9  }
0x1b9: {  	s18 =	sadd.s32 $0x1, s18  }
0x1ba: {  	p0 =	sne.s32 s18, s10  }
.Ltmp6:
0x1bb: {  	_ = 	snop;
	(pc) =	sbr.rel @p0 .LBB2_1-.Ltmp6, $4  }
0x1bc: {  	[hbm4b:s9+s13] =	stream.strided.scatter [tilespmem:s15], [sflag:$0x3], $0x1F400, s17, s13, $0x38;
	v63 =	vld [tilespmem:$0x0]  }
0x1bd: {  	_ =	swait.ge [sflag:s12], $0x1F400  }
0x1be: {  	[sflag:s12] =	ssyncset.done $0x0  }
0x1bf: {  	[sflag:s12] =	ssyncadd.s32 $0xFFFE0C00  }
0x1c0: {  	_ =	sfence.sel $0x180000  }
0x1c1: {  	[bflag:$0x0] =	sbarrier.arrive $0xFFFF  }
0x1c2: {  	p0 =	sne.s32 s0, $0x0;
	_ =	strace $0x90000047  }
0x1c3: {  	s0 =	sadd.s32 @!p0 $0x100000, s2;
	[bflag:$0x2] =	sbarrier.arrive $0xFFFF  }
0x1c4: {  	[sflag:s0] =	ssyncadd.tile.s32 @!p0 $0x1;
	_ =	shalt  }
.Lfunc_end2:
_tile_overlayer_lowered:
.L_overlay_start_2:
0x1c5: {  	(tag) =	ssettag $0x2  }
0x1c6: {  	s0 =	rddreg [dreg:$0x0];
	s2 =	stileid.u32  }
0x1c7: {  	s1 =	rddreg [dreg:$0x1];
	p0 =	sne.s32 s2, $0x0  }
0x1c8: {  	s3 =	rddreg [dreg:$0x2];
	[bflag:$0x3] =	sbarrier.arrive $0xFFFF;
	s2 =	simm.s32 @!p0 $0x1C03  }
0x1c9: {  	[timem:s3], [sflag:s2] =	dma.local @!p0 [hbm:s0], s1  }
0x1ca: {  	s0 =	simm.s32 @!p0 $0x3  }
0x1cb: {  	_ =	swait.ge @!p0 [sflag:s0], s1  }
0x1cc: {  	s1 =	ssub.s32 @!p0 $0x0, s1;
	[sflag:s0] =	ssyncset.done @!p0 $0x0  }
0x1cd: {  	[sflag:s0] =	ssyncadd.s32 @!p0 s1  }
0x1ce: {  	[bflag:$0x3] =	sbarrier.arrive $0xFFFF  }
0x1cf: {  	_ =	shalt  }

</sc_bundles>
